<compile_context>
chip_gen: v7x
topology: tpu7x:2x2x1
jax: 0.10.2.dev20260603
libtpu: 0.0.44.dev20260713+nightly
codegen_flags: <defaults>
</compile_context>

<pallas_src>
import jax
import jax.numpy as jnp
import numpy as np
from jax import lax
from jax.experimental import pallas as pl
from jax.experimental.pallas import tpu as pltpu

_B, _L, _D, _H = 1, 2048, 1024, 16
_Dh = _D // _H
_E, _K = 8, 2
_F = 4 * _D
_FS = 2 * _D

_LB = 256
_T = 256
_A = _L * _K
_MAXB = _A // _T + _E
_FC = 1024
_NF = _F // _FC


def _mm_nt(a, b):
    return lax.dot_general(a, b, (((1,), (1,)), ((), ())),
                           preferred_element_type=jnp.float32)


def _mm_nn(a, b):
    return lax.dot_general(a, b, (((1,), (0,)), ((), ())),
                           preferred_element_type=jnp.float32)


def _layernorm(x):
    mu = jnp.mean(x, axis=-1, keepdims=True)
    var = jnp.mean((x - mu) ** 2, axis=-1, keepdims=True)
    return (x - mu) * lax.rsqrt(var + 1e-6)


def _mod_body(c_ref, w_ref, b_ref, o_ref):
    cs = jax.nn.silu(c_ref[...])
    o_ref[...] = _mm_nt(cs, w_ref[...]) + b_ref[...]


def _qkv_body(x_ref, s1_ref, sh1_ref, w_ref, b_ref, qs_ref, ks_ref,
              q_out, k_out, v_out):
    x = x_ref[...]
    xm = (1.0 + s1_ref[...]) * _layernorm(x) + sh1_ref[...]
    qkv = _mm_nt(xm, w_ref[...]) + b_ref[...]
    q = qkv[:, :_D]
    k = qkv[:, _D:2 * _D]
    v = qkv[:, 2 * _D:]
    r = lax.broadcasted_iota(jnp.int32, (_D, _H), 0) // _Dh
    c = lax.broadcasted_iota(jnp.int32, (_D, _H), 1)
    m = (r == c).astype(jnp.float32)

    def rms(t, scale_full):
        ssq = _mm_nn(t * t, m)
        rr = lax.rsqrt(ssq / _Dh + 1e-6)
        rrf = _mm_nt(rr, m)
        return t * rrf * scale_full

    q_out[...] = rms(q, qs_ref[...])
    k_out[...] = rms(k, ks_ref[...])
    v_out[...] = v


def _attn_body(q_ref, k_ref, v_ref, o_ref):
    for i in range(2):
        sl = slice(i * _Dh, (i + 1) * _Dh)
        q = q_ref[:, sl]
        k = k_ref[:, sl]
        v = v_ref[:, sl]
        logits = _mm_nt(q, k) * (1.0 / np.sqrt(_Dh))
        p = jnp.exp(logits)
        o_ref[:, sl] = _mm_nn(p, v) / jnp.sum(p, axis=-1, keepdims=True)


def _proj_body(o_ref, x_ref, g1_ref, s2_ref, sh2_ref, w_ref, b_ref, gw_ref,
               x1_out, xm2_out, gl_out):
    p = _mm_nt(o_ref[...], w_ref[...]) + b_ref[...]
    x1 = x_ref[...] + g1_ref[...] * p
    xm2 = (1.0 + s2_ref[...]) * _layernorm(x1) + sh2_ref[...]
    x1_out[...] = x1
    xm2_out[...] = xm2
    gl_out[...] = _mm_nt(xm2, gw_ref[...])


def _moe_body(be_ref, bv_ref, xs_ref, eg_ref, eu_ref, ed_ref, out_ref,
              acc_ref):
    f = pl.program_id(0)
    b = pl.program_id(1)
    sl = pl.ds(b * _T, _T)

    @pl.when(f == 0)
    def _():
        acc_ref[sl, :] = jnp.zeros((_T, _D), jnp.float32)

    @pl.when(bv_ref[b] > 0)
    def _():
        xs = xs_ref[...]
        g = _mm_nt(xs, eg_ref[0])
        u = _mm_nt(xs, eu_ref[0])
        h = jax.nn.silu(g) * u
        acc_ref[sl, :] += lax.dot_general(
            h, ed_ref[0], (((1,), (1,)), ((), ())),
            preferred_element_type=jnp.float32)

    out_ref[...] = acc_ref[sl, :]


def _shared_body(xm2_ref, x1_ref, y_ref, g2_ref, sg_ref, su_ref, sd_ref,
                 out_ref):
    t = xm2_ref[...]
    g = _mm_nt(t, sg_ref[...])
    u = _mm_nt(t, su_ref[...])
    h = jax.nn.silu(g) * u
    sh = _mm_nt(h, sd_ref[...])
    out_ref[...] = x1_ref[...] + g2_ref[...] * (y_ref[...] + sh)


def _full(shape):
    return pl.BlockSpec(shape, lambda *_: tuple(0 for _ in shape))


def kernel(x, c, mod_w, mod_b, qkv_w, qkv_b, q_scale, k_scale, proj_w,
           proj_b, gate_w, eg_w, eu_w, ed_w, sg_w, su_w, sd_w):
    f32 = jnp.float32
    xf = x.reshape(_L, _D)
    nl = _L // _LB

    vec = pl.pallas_call(
        _mod_body,
        out_shape=jax.ShapeDtypeStruct((1, 6 * _D), f32),
        in_specs=[_full((1, _D)), _full((6 * _D, _D)), _full((1, 6 * _D))],
        out_specs=_full((1, 6 * _D)),
    )(c.reshape(1, _D), mod_w, mod_b.reshape(1, 6 * _D))
    sh1 = vec[:, 0:_D]
    sc1 = vec[:, _D:2 * _D]
    g1 = vec[:, 2 * _D:3 * _D]
    sh2 = vec[:, 3 * _D:4 * _D]
    sc2 = vec[:, 4 * _D:5 * _D]
    g2 = vec[:, 5 * _D:6 * _D]

    qs_full = jnp.tile(q_scale, _H).reshape(1, _D)
    ks_full = jnp.tile(k_scale, _H).reshape(1, _D)

    row_spec = pl.BlockSpec((_LB, _D), lambda i: (i, 0))
    one_spec = pl.BlockSpec((1, _D), lambda i: (0, 0))
    q, k, v = pl.pallas_call(
        _qkv_body,
        grid=(nl,),
        out_shape=[jax.ShapeDtypeStruct((_L, _D), f32)] * 3,
        in_specs=[row_spec, one_spec, one_spec,
                  pl.BlockSpec((3 * _D, _D), lambda i: (0, 0)),
                  pl.BlockSpec((1, 3 * _D), lambda i: (0, 0)),
                  one_spec, one_spec],
        out_specs=[row_spec] * 3,
    )(xf, sc1, sh1, qkv_w, qkv_b.reshape(1, 3 * _D), qs_full, ks_full)

    pair_spec = pl.BlockSpec((_L, 2 * _Dh), lambda h: (0, h))
    o = pl.pallas_call(
        _attn_body,
        grid=(_H // 2,),
        out_shape=jax.ShapeDtypeStruct((_L, _D), f32),
        in_specs=[pair_spec] * 3,
        out_specs=pair_spec,
    )(q, k, v)

    gw_pad = jnp.zeros((128, _D), f32).at[:_E].set(gate_w)
    x1, xm2, glog = pl.pallas_call(
        _proj_body,
        grid=(nl,),
        out_shape=[jax.ShapeDtypeStruct((_L, _D), f32),
                   jax.ShapeDtypeStruct((_L, _D), f32),
                   jax.ShapeDtypeStruct((_L, 128), f32)],
        in_specs=[row_spec, row_spec, one_spec, one_spec, one_spec,
                  pl.BlockSpec((_D, _D), lambda i: (0, 0)),
                  one_spec,
                  pl.BlockSpec((128, _D), lambda i: (0, 0))],
        out_specs=[row_spec, row_spec,
                   pl.BlockSpec((_LB, 128), lambda i: (i, 0))],
    )(o, xf, g1, sc2, sh2, proj_w, proj_b.reshape(1, _D), gw_pad)

    scores = jax.nn.softmax(glog[:, :_E], axis=-1)
    topk_w, topk_i = lax.top_k(scores, _K)
    a_e = topk_i.reshape(-1).astype(jnp.int32)
    a_t = (jnp.arange(_A, dtype=jnp.int32) // _K)
    order = jnp.argsort(a_e)
    s_e = a_e[order]
    s_t = a_t[order]
    counts = jnp.bincount(a_e, length=_E)
    starts = jnp.cumsum(counts) - counts
    nb = (counts + _T - 1) // _T
    cnb = jnp.cumsum(nb)
    blockbase = cnb - nb
    bidx = jnp.arange(_MAXB)
    e_b = jnp.minimum(jnp.searchsorted(cnb, bidx, side='right'),
                      _E - 1).astype(jnp.int32)
    within = bidx - blockbase[e_b]
    start_b = starts[e_b] + within * _T
    len_b = jnp.clip(counts[e_b] - within * _T, 0, _T)
    valid_b = (len_b > 0).astype(jnp.int32)
    t_in = jnp.arange(_T)
    pos = jnp.clip(start_b[:, None] + t_in[None, :], 0, _A - 1)
    inr = t_in[None, :] < len_b[:, None]
    ids = jnp.where(inr, s_t[pos], 0).reshape(-1)

    xs = jnp.take(xm2, ids, axis=0)

    grid_spec = pltpu.PrefetchScalarGridSpec(
        num_scalar_prefetch=2,
        grid=(_NF, _MAXB),
        in_specs=[
            pl.BlockSpec((_T, _D), lambda f, b, be, bv: (b, 0)),
            pl.BlockSpec((1, _FC, _D), lambda f, b, be, bv: (be[b], f, 0)),
            pl.BlockSpec((1, _FC, _D), lambda f, b, be, bv: (be[b], f, 0)),
            pl.BlockSpec((1, _D, _FC), lambda f, b, be, bv: (be[b], 0, f)),
        ],
        out_specs=pl.BlockSpec((_T, _D), lambda f, b, be, bv: (b, 0)),
        scratch_shapes=[pltpu.VMEM((_MAXB * _T, _D), f32)],
    )
    outs = jnp.zeros((_MAXB * _T, _D), f32) + xs.sum() * 0

    invpos = jnp.argsort(order)
    ofs = jnp.arange(_A) - starts[s_e]
    padrow_s = (blockbase[s_e] + ofs // _T) * _T + ofs % _T
    rowof = padrow_s[invpos].reshape(_L, _K)
    y = (topk_w[:, 0:1] * jnp.take(outs, rowof[:, 0], axis=0)
         + topk_w[:, 1:2] * jnp.take(outs, rowof[:, 1], axis=0))

    out = pl.pallas_call(
        _shared_body,
        grid=(nl,),
        out_shape=jax.ShapeDtypeStruct((_L, _D), f32),
        in_specs=[row_spec, row_spec, row_spec, one_spec,
                  pl.BlockSpec((_FS, _D), lambda i: (0, 0)),
                  pl.BlockSpec((_FS, _D), lambda i: (0, 0)),
                  pl.BlockSpec((_D, _FS), lambda i: (0, 0))],
        out_specs=row_spec,
    )(xm2, x1, y, g2, sg_w, su_w, sd_w)

    return out.reshape(_B, _L, _D)

# --- scband reference (transcript-rebuilt; emitter-appended) ---
"""Pipeline reference for scband-di-tblock-28621662060770 (READ-ONLY COPY).

The authoritative reference and input builder live on the scoring server;
editing this copy changes nothing except your own understanding.
"""

import jax, jax.numpy as jnp
import numpy as np

B, L, D, H = 1, 2048, 1024, 16
Dh = D // H
E, K = 8, 2
F_MOE = 4 * D
F_SH = 2 * D


def _ln(x):
    mu = jnp.mean(x, axis=-1, keepdims=True)
    var = jnp.mean((x - mu) ** 2, axis=-1, keepdims=True)
    return (x - mu) * jax.lax.rsqrt(var + 1e-6)


def _rms(x, scale):
    rrms = jax.lax.rsqrt(jnp.mean(x.astype(jnp.float32) ** 2, axis=-1, keepdims=True) + 1e-6)
    return (x * rrms) * scale


def setup_inputs(seed: int = 0) -> dict:
    key = jax.random.key(seed)
    ks = jax.random.split(key, 16)
    s = 0.02
    return {
        'x': jax.random.normal(ks[0], (B, L, D), jnp.float32),
        'c': jax.random.normal(ks[1], (B, D), jnp.float32),
        'mod_w': jax.random.normal(ks[2], (6 * D, D), jnp.float32) * s,
        'mod_b': jnp.zeros((6 * D,), jnp.float32),
        'qkv_w': jax.random.normal(ks[3], (3 * D, D), jnp.float32) * s,
        'qkv_b': jnp.zeros((3 * D,), jnp.float32),
        'q_scale': jnp.ones((Dh,), jnp.float32),
        'k_scale': jnp.ones((Dh,), jnp.float32),
        'proj_w': jax.random.normal(ks[4], (D, D), jnp.float32) * s,
        'proj_b': jnp.zeros((D,), jnp.float32),
        'gate_w': jax.random.normal(ks[5], (E, D), jnp.float32) * s,
        'eg_w': jax.random.normal(ks[6], (E, F_MOE, D), jnp.float32) * s,
        'eu_w': jax.random.normal(ks[7], (E, F_MOE, D), jnp.float32) * s,
        'ed_w': jax.random.normal(ks[8], (E, D, F_MOE), jnp.float32) * s,
        'sg_w': jax.random.normal(ks[9], (F_SH, D), jnp.float32) * s,
        'su_w': jax.random.normal(ks[10], (F_SH, D), jnp.float32) * s,
        'sd_w': jax.random.normal(ks[11], (D, F_SH), jnp.float32) * s,
    }


def reference(x, c, mod_w, mod_b, qkv_w, qkv_b, q_scale, k_scale, proj_w, proj_b, gate_w, eg_w, eu_w, ed_w, sg_w, su_w, sd_w):
    # Modulation: silu(vec) -> linear -> chunk 6 (double=True)
    vec = jax.nn.silu(c) @ mod_w.T + mod_b
    shift1, scale1, gate1, shift2, scale2, gate2 = jnp.split(vec[:, None, :], 6, axis=-1)
    # Attention branch with adaLN modulation
    xm = (1.0 + scale1) * _ln(x) + shift1
    qkv = xm @ qkv_w.T + qkv_b
    qkv = qkv.reshape(B, L, 3, H, Dh).transpose(2, 0, 3, 1, 4)
    q, k, v = qkv[0], qkv[1], qkv[2]
    q = _rms(q, q_scale)
    k = _rms(k, k_scale)
    logits_att = jnp.einsum('bhld,bhmd->bhlm', q, k) / np.sqrt(Dh)
    attn = jax.nn.softmax(logits_att, axis=-1)
    o = jnp.einsum('bhlm,bhmd->bhld', attn, v)
    o = o.transpose(0, 2, 1, 3).reshape(B, L, D)
    x = x + gate1 * (o @ proj_w.T + proj_b)
    # MoE branch
    xm2 = (1.0 + scale2) * _ln(x) + shift2
    flat = xm2.reshape(-1, D)
    glogits = flat @ gate_w.T
    scores = jax.nn.softmax(glogits, axis=-1)
    topk_w, topk_i = jax.lax.top_k(scores, K)  # norm_topk_prob=False -> no renorm
    comb = (jax.nn.one_hot(topk_i, E, dtype=flat.dtype) * topk_w[..., None]).sum(axis=1)  # [N, E]
    y = jnp.zeros_like(flat)
    for e in range(E):
        h = jax.nn.silu(flat @ eg_w[e].T) * (flat @ eu_w[e].T)
        y = y + comb[:, e:e + 1] * (h @ ed_w[e].T)
    sh = (jax.nn.silu(flat @ sg_w.T) * (flat @ su_w.T)) @ sd_w.T
    moe_out = (y + sh).reshape(B, L, D)
    x = x + gate2 * moe_out
    return x

if __name__ == "__main__":
    import jax
    _d = setup_inputs()
    print(jax.jit(kernel)(*tuple(_d.values())))

</pallas_src>

<mosaic_0001>
module attributes {stable_mosaic.version = 14 : i64} {
  func.func @_mod_body(%arg0: memref<1x1024xf32, #tpu.memory_space<vmem>>, %arg1: memref<6144x1024xf32, #tpu.memory_space<vmem>>, %arg2: memref<1x6144xf32, #tpu.memory_space<vmem>>, %arg3: memref<1x6144xf32, #tpu.memory_space<vmem>>) attributes {dimension_semantics = [], scalar_prefetch = 0 : i64, scratch_operands = 0 : i64, tpu.core_type = #tpu.core_type<tc>} {
    %get3A = arith.constant 0 : index
    %get3A_0 = arith.constant 0 : index
    %get3A_1 = vector.load %arg0[%get3A, %get3A_0] : memref<1x1024xf32, #tpu.memory_space<vmem>>, vector<1x1024xf32>
    %logistic3A = arith.negf %get3A_1 : vector<1x1024xf32>
    %logistic3A_2 = math.exp %logistic3A : vector<1x1024xf32>
    %logistic3A_3 = arith.constant 1.000000e+00 : f32
    %logistic3A_4 = vector.broadcast %logistic3A_3 : f32 to vector<1x1024xf32>
    %logistic3A_5 = arith.addf %logistic3A_4, %logistic3A_2 : vector<1x1024xf32>
    %logistic3A_6 = arith.divf %logistic3A_4, %logistic3A_5 : vector<1x1024xf32>
    %mul3A = arith.mulf %get3A_1, %logistic3A_6 : vector<1x1024xf32>
    %get3A_7 = arith.constant 0 : index
    %get3A_8 = arith.constant 0 : index
    %get3A_9 = vector.load %arg1[%get3A_7, %get3A_8] : memref<6144x1024xf32, #tpu.memory_space<vmem>>, vector<6144x1024xf32>
    %dot_general3A = arith.constant dense<0.000000e+00> : vector<1x6144xf32>
    %dot_general3A_10 = tpu.matmul %mul3A, %get3A_9, %dot_general3A {dimension_numbers = #tpu.dot_dimension_numbers<[1], [1], [0], [0], [0, 0, 1, 0], [], []>, transpose_lhs_hint = false} : vector<1x1024xf32>, vector<6144x1024xf32>, vector<1x6144xf32> -> vector<1x6144xf32>
    %get3A_11 = arith.constant 0 : index
    %get3A_12 = arith.constant 0 : index
    %get3A_13 = vector.load %arg2[%get3A_11, %get3A_12] : memref<1x6144xf32, #tpu.memory_space<vmem>>, vector<1x6144xf32>
    %add3A = arith.addf %dot_general3A_10, %get3A_13 : vector<1x6144xf32>
    %swap3A = arith.constant 0 : index
    %swap3A_14 = arith.constant 0 : index
    %swap3A_15 = vector.load %arg3[%swap3A, %swap3A_14] : memref<1x6144xf32, #tpu.memory_space<vmem>>, vector<1x6144xf32>
    tpu.vector_store %arg3[%swap3A, %swap3A_14], %add3A {strides = array<i32>} : memref<1x6144xf32, #tpu.memory_space<vmem>>, vector<1x6144xf32>,
    return
  }
}

module attributes {stable_mosaic.version = 14 : i64} {
  func.func @_qkv_body(%arg0: i32, %arg1: memref<256x1024xf32, #tpu.memory_space<vmem>>, %arg2: memref<1x1024xf32, #tpu.memory_space<vmem>>, %arg3: memref<1x1024xf32, #tpu.memory_space<vmem>>, %arg4: memref<3072x1024xf32, #tpu.memory_space<vmem>>, %arg5: memref<1x3072xf32, #tpu.memory_space<vmem>>, %arg6: memref<1x1024xf32, #tpu.memory_space<vmem>>, %arg7: memref<1x1024xf32, #tpu.memory_space<vmem>>, %arg8: memref<256x1024xf32, #tpu.memory_space<vmem>>, %arg9: memref<256x1024xf32, #tpu.memory_space<vmem>>, %arg10: memref<256x1024xf32, #tpu.memory_space<vmem>>) attributes {dimension_semantics = [#tpu.dimension_semantics<arbitrary>], iteration_bounds = array<i64: 8>, scalar_prefetch = 0 : i64, scratch_operands = 0 : i64, tpu.core_type = #tpu.core_type<tc>, window_params = [{transform_indices = @transform_0, window_bounds = array<i64: 256, 1024>}, {pipeline_mode = #tpu.pipeline_mode<synchronous>, transform_indices = @transform_1, window_bounds = array<i64: 1, 1024>}, {pipeline_mode = #tpu.pipeline_mode<synchronous>, transform_indices = @transform_2, window_bounds = array<i64: 1, 1024>}, {pipeline_mode = #tpu.pipeline_mode<synchronous>, transform_indices = @transform_3, window_bounds = array<i64: 3072, 1024>}, {pipeline_mode = #tpu.pipeline_mode<synchronous>, transform_indices = @transform_4, window_bounds = array<i64: 1, 3072>}, {pipeline_mode = #tpu.pipeline_mode<synchronous>, transform_indices = @transform_5, window_bounds = array<i64: 1, 1024>}, {pipeline_mode = #tpu.pipeline_mode<synchronous>, transform_indices = @transform_6, window_bounds = array<i64: 1, 1024>}, {transform_indices = @transform_7, window_bounds = array<i64: 256, 1024>}, {transform_indices = @transform_8, window_bounds = array<i64: 256, 1024>}, {transform_indices = @transform_9, window_bounds = array<i64: 256, 1024>}]} {
    %get3A = arith.constant 0 : index
    %get3A_0 = arith.constant 0 : index
    %get3A_1 = vector.load %arg1[%get3A, %get3A_0] : memref<256x1024xf32, #tpu.memory_space<vmem>>, vector<256x1024xf32>
    %get3A_2 = arith.constant 0 : index
    %get3A_3 = arith.constant 0 : index
    %get3A_4 = vector.load %arg2[%get3A_2, %get3A_3] : memref<1x1024xf32, #tpu.memory_space<vmem>>, vector<1x1024xf32>
    %add3A = arith.constant 1.000000e+00 : f32
    %add3A_5 = vector.broadcast %add3A : f32 to vector<1x1024xf32>
    %add3A_6 = arith.addf %add3A_5, %get3A_4 : vector<1x1024xf32>
    %reduce_sum3A = arith.constant dense<0.000000e+00> : vector<256xf32>
    %reduce_sum3A_7 = vector.multi_reduction <add>, %get3A_1, %reduce_sum3A [1] : vector<256x1024xf32> to vector<256xf32>
    %broadcast_in_dim3A = vector.shape_cast %reduce_sum3A_7 : vector<256xf32> to vector<256x1xf32>
    %div3A = arith.constant 1.024000e+03 : f32
    %div3A_8 = vector.broadcast %div3A : f32 to vector<256x1xf32>
    %div3A_9 = arith.divf %broadcast_in_dim3A, %div3A_8 : vector<256x1xf32>
    %sub3A = vector.broadcast %div3A_9 : vector<256x1xf32> to vector<256x1024xf32>
    %sub3A_10 = arith.subf %get3A_1, %sub3A : vector<256x1024xf32>
    %integer_pow3A = arith.mulf %sub3A_10, %sub3A_10 : vector<256x1024xf32>
    %reduce_sum3A_11 = arith.constant dense<0.000000e+00> : vector<256xf32>
    %reduce_sum3A_12 = vector.multi_reduction <add>, %integer_pow3A, %reduce_sum3A_11 [1] : vector<256x1024xf32> to vector<256xf32>
    %broadcast_in_dim3A_13 = vector.shape_cast %reduce_sum3A_12 : vector<256xf32> to vector<256x1xf32>
    %div3A_14 = arith.constant 1.024000e+03 : f32
    %div3A_15 = vector.broadcast %div3A_14 : f32 to vector<256x1xf32>
    %div3A_16 = arith.divf %broadcast_in_dim3A_13, %div3A_15 : vector<256x1xf32>
    %sub3A_17 = vector.broadcast %div3A_9 : vector<256x1xf32> to vector<256x1024xf32>
    %sub3A_18 = arith.subf %get3A_1, %sub3A_17 : vector<256x1024xf32>
    %add3A_19 = arith.constant 9.99999997E-7 : f32
    %add3A_20 = vector.broadcast %add3A_19 : f32 to vector<256x1xf32>
    %add3A_21 = arith.addf %div3A_16, %add3A_20 : vector<256x1xf32>
    %rsqrt3A = math.rsqrt %add3A_21 : vector<256x1xf32>
    %mul3A = vector.broadcast %rsqrt3A : vector<256x1xf32> to vector<256x1024xf32>
    %mul3A_22 = arith.mulf %sub3A_18, %mul3A : vector<256x1024xf32>
    %mul3A_23 = vector.broadcast %add3A_6 : vector<1x1024xf32> to vector<256x1024xf32>
    %mul3A_24 = arith.mulf %mul3A_23, %mul3A_22 : vector<256x1024xf32>
    %get3A_25 = arith.constant 0 : index
    %get3A_26 = arith.constant 0 : index
    %get3A_27 = vector.load %arg3[%get3A_25, %get3A_26] : memref<1x1024xf32, #tpu.memory_space<vmem>>, vector<1x1024xf32>
    %add3A_28 = vector.broadcast %get3A_27 : vector<1x1024xf32> to vector<256x1024xf32>
    %add3A_29 = arith.addf %mul3A_24, %add3A_28 : vector<256x1024xf32>
    %get3A_30 = arith.constant 0 : index
    %get3A_31 = arith.constant 0 : index
    %get3A_32 = vector.load %arg4[%get3A_30, %get3A_31] : memref<3072x1024xf32, #tpu.memory_space<vmem>>, vector<3072x1024xf32>
    %dot_general3A = arith.constant dense<0.000000e+00> : vector<256x3072xf32>
    %dot_general3A_33 = tpu.matmul %add3A_29, %get3A_32, %dot_general3A {dimension_numbers = #tpu.dot_dimension_numbers<[1], [1], [0], [0], [0, 0, 1, 0], [], []>, transpose_lhs_hint = false} : vector<256x1024xf32>, vector<3072x1024xf32>, vector<256x3072xf32> -> vector<256x3072xf32>
    %get3A_34 = arith.constant 0 : index
    %get3A_35 = arith.constant 0 : index
    %get3A_36 = vector.load %arg5[%get3A_34, %get3A_35] : memref<1x3072xf32, #tpu.memory_space<vmem>>, vector<1x3072xf32>
    %add3A_37 = vector.broadcast %get3A_36 : vector<1x3072xf32> to vector<256x3072xf32>
    %add3A_38 = arith.addf %dot_general3A_33, %add3A_37 : vector<256x3072xf32>
    %slice3A = vector.extract_strided_slice %add3A_38 {offsets = [0, 0], sizes = [256, 1024], strides = [1, 1]} : vector<256x3072xf32> to vector<256x1024xf32>
    %slice3A_39 = vector.extract_strided_slice %add3A_38 {offsets = [0, 1024], sizes = [256, 1024], strides = [1, 1]} : vector<256x3072xf32> to vector<256x1024xf32>
    %slice3A_40 = vector.extract_strided_slice %add3A_38 {offsets = [0, 2048], sizes = [256, 1024], strides = [1, 1]} : vector<256x3072xf32> to vector<256x1024xf32>
    %iota3A = tpu.iota {dimensions = array<i32: 0>} : vector<1024x16xi32>
    %jit3A = arith.constant 64 : i32
    %div3A_41 = vector.broadcast %jit3A : i32 to vector<1024x16xi32>
    %div3A_42 = arith.divsi %iota3A, %div3A_41 : vector<1024x16xi32>
    %sign3A = arith.constant 0 : i32
    %sign3A_43 = vector.broadcast %sign3A : i32 to vector<1024x16xi32>
    %sign3A_44 = arith.cmpi sgt, %iota3A, %sign3A_43 : vector<1024x16xi32>
    %sign3A_45 = arith.extui %sign3A_44 : vector<1024x16xi1> to vector<1024x16xi32>
    %sign3A_46 = arith.constant 0 : i32
    %sign3A_47 = vector.broadcast %sign3A_46 : i32 to vector<1024x16xi32>
    %sign3A_48 = arith.cmpi slt, %iota3A, %sign3A_47 : vector<1024x16xi32>
    %sign3A_49 = arith.extui %sign3A_48 : vector<1024x16xi1> to vector<1024x16xi32>
    %sign3A_50 = arith.subi %sign3A_45, %sign3A_49 : vector<1024x16xi32>
    %sign3A_51 = arith.constant 0 : i32
    %sign3A_52 = arith.cmpi sgt, %jit3A, %sign3A_51 : i32
    %sign3A_53 = arith.extui %sign3A_52 : i1 to i32
    %sign3A_54 = arith.constant 0 : i32
    %sign3A_55 = arith.cmpi slt, %jit3A, %sign3A_54 : i32
    %sign3A_56 = arith.extui %sign3A_55 : i1 to i32
    %sign3A_57 = arith.subi %sign3A_53, %sign3A_56 : i32
    %ne3A = vector.broadcast %sign3A_57 : i32 to vector<1024x16xi32>
    %ne3A_58 = arith.cmpi ne, %sign3A_50, %ne3A : vector<1024x16xi32>
    %rem3A = vector.broadcast %jit3A : i32 to vector<1024x16xi32>
    %rem3A_59 = arith.remsi %iota3A, %rem3A : vector<1024x16xi32>
    %ne3A_60 = arith.constant 0 : i32
    %ne3A_61 = vector.broadcast %ne3A_60 : i32 to vector<1024x16xi32>
    %ne3A_62 = arith.cmpi ne, %rem3A_59, %ne3A_61 : vector<1024x16xi32>
    %and3A = arith.andi %ne3A_58, %ne3A_62 : vector<1024x16xi1>
    %sub3A_63 = arith.constant 1 : i32
    %sub3A_64 = vector.broadcast %sub3A_63 : i32 to vector<1024x16xi32>
    %sub3A_65 = arith.subi %div3A_42, %sub3A_64 : vector<1024x16xi32>
    %select_n3A = arith.select %and3A, %sub3A_65, %div3A_42 : vector<1024x16xi1>, vector<1024x16xi32>
    %iota3A_66 = tpu.iota {dimensions = array<i32: 1>} : vector<1024x16xi32>
    %eq3A = arith.cmpi eq, %select_n3A, %iota3A_66 : vector<1024x16xi32>
    %convert_element_type3A = arith.extui %eq3A : vector<1024x16xi1> to vector<1024x16xi32>
    %convert_element_type3A_67 = arith.sitofp %convert_element_type3A : vector<1024x16xi32> to vector<1024x16xf32>
    %get3A_68 = arith.constant 0 : index
    %get3A_69 = arith.constant 0 : index
    %get3A_70 = vector.load %arg6[%get3A_68, %get3A_69] : memref<1x1024xf32, #tpu.memory_space<vmem>>, vector<1x1024xf32>
    %mul3A_71 = arith.mulf %slice3A, %slice3A : vector<256x1024xf32>
    %dot_general3A_72 = arith.constant dense<0.000000e+00> : vector<256x16xf32>
    %dot_general3A_73 = tpu.matmul %mul3A_71, %convert_element_type3A_67, %dot_general3A_72 {dimension_numbers = #tpu.dot_dimension_numbers<[1], [0], [0], [1], [0, 0, 1, 1], [], []>, transpose_lhs_hint = false} : vector<256x1024xf32>, vector<1024x16xf32>, vector<256x16xf32> -> vector<256x16xf32>
    %div3A_74 = arith.constant 6.400000e+01 : f32
    %div3A_75 = vector.broadcast %div3A_74 : f32 to vector<256x16xf32>
    %div3A_76 = arith.divf %dot_general3A_73, %div3A_75 : vector<256x16xf32>
    %add3A_77 = arith.constant 9.99999997E-7 : f32
    %add3A_78 = vector.broadcast %add3A_77 : f32 to vector<256x16xf32>
    %add3A_79 = arith.addf %div3A_76, %add3A_78 : vector<256x16xf32>
    %rsqrt3A_80 = math.rsqrt %add3A_79 : vector<256x16xf32>
    %dot_general3A_81 = arith.constant dense<0.000000e+00> : vector<256x1024xf32>
    %dot_general3A_82 = tpu.matmul %rsqrt3A_80, %convert_element_type3A_67, %dot_general3A_81 {dimension_numbers = #tpu.dot_dimension_numbers<[1], [1], [0], [0], [0, 0, 1, 0], [], []>, transpose_lhs_hint = false} : vector<256x16xf32>, vector<1024x16xf32>, vector<256x1024xf32> -> vector<256x1024xf32>
    %mul3A_83 = arith.mulf %slice3A, %dot_general3A_82 : vector<256x1024xf32>
    %mul3A_84 = vector.broadcast %get3A_70 : vector<1x1024xf32> to vector<256x1024xf32>
    %mul3A_85 = arith.mulf %mul3A_83, %mul3A_84 : vector<256x1024xf32>
    %swap3A = arith.constant 0 : index
    %swap3A_86 = arith.constant 0 : index
    %swap3A_87 = vector.load %arg8[%swap3A, %swap3A_86] : memref<256x1024xf32, #tpu.memory_space<vmem>>, vector<256x1024xf32>
    tpu.vector_store %arg8[%swap3A, %swap3A_86], %mul3A_85 {strides = array<i32>} : memref<256x1024xf32, #tpu.memory_space<vmem>>, vector<256x1024xf32>,
    %get3A_88 = arith.constant 0 : index
    %get3A_89 = arith.constant 0 : index
    %get3A_90 = vector.load %arg7[%get3A_88, %get3A_89] : memref<1x1024xf32, #tpu.memory_space<vmem>>, vector<1x1024xf32>
    %mul3A_91 = arith.mulf %slice3A_39, %slice3A_39 : vector<256x1024xf32>
    %dot_general3A_92 = arith.constant dense<0.000000e+00> : vector<256x16xf32>
    %dot_general3A_93 = tpu.matmul %mul3A_91, %convert_element_type3A_67, %dot_general3A_92 {dimension_numbers = #tpu.dot_dimension_numbers<[1], [0], [0], [1], [0, 0, 1, 1], [], []>, transpose_lhs_hint = false} : vector<256x1024xf32>, vector<1024x16xf32>, vector<256x16xf32> -> vector<256x16xf32>
    %div3A_94 = arith.constant 6.400000e+01 : f32
    %div3A_95 = vector.broadcast %div3A_94 : f32 to vector<256x16xf32>
    %div3A_96 = arith.divf %dot_general3A_93, %div3A_95 : vector<256x16xf32>
    %add3A_97 = arith.constant 9.99999997E-7 : f32
    %add3A_98 = vector.broadcast %add3A_97 : f32 to vector<256x16xf32>
    %add3A_99 = arith.addf %div3A_96, %add3A_98 : vector<256x16xf32>
    %rsqrt3A_100 = math.rsqrt %add3A_99 : vector<256x16xf32>
    %dot_general3A_101 = arith.constant dense<0.000000e+00> : vector<256x1024xf32>
    %dot_general3A_102 = tpu.matmul %rsqrt3A_100, %convert_element_type3A_67, %dot_general3A_101 {dimension_numbers = #tpu.dot_dimension_numbers<[1], [1], [0], [0], [0, 0, 1, 0], [], []>, transpose_lhs_hint = false} : vector<256x16xf32>, vector<1024x16xf32>, vector<256x1024xf32> -> vector<256x1024xf32>
    %mul3A_103 = arith.mulf %slice3A_39, %dot_general3A_102 : vector<256x1024xf32>
    %mul3A_104 = vector.broadcast %get3A_90 : vector<1x1024xf32> to vector<256x1024xf32>
    %mul3A_105 = arith.mulf %mul3A_103, %mul3A_104 : vector<256x1024xf32>
    %swap3A_106 = arith.constant 0 : index
    %swap3A_107 = arith.constant 0 : index
    %swap3A_108 = vector.load %arg9[%swap3A_106, %swap3A_107] : memref<256x1024xf32, #tpu.memory_space<vmem>>, vector<256x1024xf32>
    tpu.vector_store %arg9[%swap3A_106, %swap3A_107], %mul3A_105 {strides = array<i32>} : memref<256x1024xf32, #tpu.memory_space<vmem>>, vector<256x1024xf32>,
    %swap3A_109 = arith.constant 0 : index
    %swap3A_110 = arith.constant 0 : index
    %swap3A_111 = vector.load %arg10[%swap3A_109, %swap3A_110] : memref<256x1024xf32, #tpu.memory_space<vmem>>, vector<256x1024xf32>
    tpu.vector_store %arg10[%swap3A_109, %swap3A_110], %slice3A_40 {strides = array<i32>} : memref<256x1024xf32, #tpu.memory_space<vmem>>, vector<256x1024xf32>,
    return
  }
  func.func @transform_0(%arg0: i32) -> (i32, i32) {
    %c0_i32 = arith.constant 0 : i32
    %c0_i32_0 = arith.constant 0 : i32
    return %arg0, %c0_i32 : i32, i32
  }
  func.func @transform_1(%arg0: i32) -> (i32, i32) {
    %c0_i32 = arith.constant 0 : i32
    %c0_i32_0 = arith.constant 0 : i32
    %c0_i32_1 = arith.constant 0 : i32
    return %c0_i32, %c0_i32_0 : i32, i32
  }
  func.func @transform_2(%arg0: i32) -> (i32, i32) {
    %c0_i32 = arith.constant 0 : i32
    %c0_i32_0 = arith.constant 0 : i32
    %c0_i32_1 = arith.constant 0 : i32
    return %c0_i32, %c0_i32_0 : i32, i32
  }
  func.func @transform_3(%arg0: i32) -> (i32, i32) {
    %c0_i32 = arith.constant 0 : i32
    %c0_i32_0 = arith.constant 0 : i32
    %c0_i32_1 = arith.constant 0 : i32
    return %c0_i32, %c0_i32_0 : i32, i32
  }
  func.func @transform_4(%arg0: i32) -> (i32, i32) {
    %c0_i32 = arith.constant 0 : i32
    %c0_i32_0 = arith.constant 0 : i32
    %c0_i32_1 = arith.constant 0 : i32
    return %c0_i32, %c0_i32_0 : i32, i32
  }
  func.func @transform_5(%arg0: i32) -> (i32, i32) {
    %c0_i32 = arith.constant 0 : i32
    %c0_i32_0 = arith.constant 0 : i32
    %c0_i32_1 = arith.constant 0 : i32
    return %c0_i32, %c0_i32_0 : i32, i32
  }
  func.func @transform_6(%arg0: i32) -> (i32, i32) {
    %c0_i32 = arith.constant 0 : i32
    %c0_i32_0 = arith.constant 0 : i32
    %c0_i32_1 = arith.constant 0 : i32
    return %c0_i32, %c0_i32_0 : i32, i32
  }
  func.func @transform_7(%arg0: i32) -> (i32, i32) {
    %c0_i32 = arith.constant 0 : i32
    %c0_i32_0 = arith.constant 0 : i32
    return %arg0, %c0_i32 : i32, i32
  }
  func.func @transform_8(%arg0: i32) -> (i32, i32) {
    %c0_i32 = arith.constant 0 : i32
    %c0_i32_0 = arith.constant 0 : i32
    return %arg0, %c0_i32 : i32, i32
  }
  func.func @transform_9(%arg0: i32) -> (i32, i32) {
    %c0_i32 = arith.constant 0 : i32
    %c0_i32_0 = arith.constant 0 : i32
    return %arg0, %c0_i32 : i32, i32
  }
}

module attributes {stable_mosaic.version = 14 : i64} {
  func.func @_proj_body(%arg0: i32, %arg1: memref<256x1024xf32, #tpu.memory_space<vmem>>, %arg2: memref<256x1024xf32, #tpu.memory_space<vmem>>, %arg3: memref<1x1024xf32, #tpu.memory_space<vmem>>, %arg4: memref<1x1024xf32, #tpu.memory_space<vmem>>, %arg5: memref<1x1024xf32, #tpu.memory_space<vmem>>, %arg6: memref<1024x1024xf32, #tpu.memory_space<vmem>>, %arg7: memref<1x1024xf32, #tpu.memory_space<vmem>>, %arg8: memref<128x1024xf32, #tpu.memory_space<vmem>>, %arg9: memref<256x1024xf32, #tpu.memory_space<vmem>>, %arg10: memref<256x1024xf32, #tpu.memory_space<vmem>>, %arg11: memref<256x128xf32, #tpu.memory_space<vmem>>) attributes {dimension_semantics = [#tpu.dimension_semantics<arbitrary>], iteration_bounds = array<i64: 8>, scalar_prefetch = 0 : i64, scratch_operands = 0 : i64, tpu.core_type = #tpu.core_type<tc>, window_params = [{transform_indices = @transform_0, window_bounds = array<i64: 256, 1024>}, {transform_indices = @transform_1, window_bounds = array<i64: 256, 1024>}, {pipeline_mode = #tpu.pipeline_mode<synchronous>, transform_indices = @transform_2, window_bounds = array<i64: 1, 1024>}, {pipeline_mode = #tpu.pipeline_mode<synchronous>, transform_indices = @transform_3, window_bounds = array<i64: 1, 1024>}, {pipeline_mode = #tpu.pipeline_mode<synchronous>, transform_indices = @transform_4, window_bounds = array<i64: 1, 1024>}, {pipeline_mode = #tpu.pipeline_mode<synchronous>, transform_indices = @transform_5, window_bounds = array<i64: 1024, 1024>}, {pipeline_mode = #tpu.pipeline_mode<synchronous>, transform_indices = @transform_6, window_bounds = array<i64: 1, 1024>}, {pipeline_mode = #tpu.pipeline_mode<synchronous>, transform_indices = @transform_7, window_bounds = array<i64: 128, 1024>}, {transform_indices = @transform_8, window_bounds = array<i64: 256, 1024>}, {transform_indices = @transform_9, window_bounds = array<i64: 256, 1024>}, {transform_indices = @transform_10, window_bounds = array<i64: 256, 128>}]} {
    %get3A = arith.constant 0 : index
    %get3A_0 = arith.constant 0 : index
    %get3A_1 = vector.load %arg1[%get3A, %get3A_0] : memref<256x1024xf32, #tpu.memory_space<vmem>>, vector<256x1024xf32>
    %get3A_2 = arith.constant 0 : index
    %get3A_3 = arith.constant 0 : index
    %get3A_4 = vector.load %arg6[%get3A_2, %get3A_3] : memref<1024x1024xf32, #tpu.memory_space<vmem>>, vector<1024x1024xf32>
    %dot_general3A = arith.constant dense<0.000000e+00> : vector<256x1024xf32>
    %dot_general3A_5 = tpu.matmul %get3A_1, %get3A_4, %dot_general3A {dimension_numbers = #tpu.dot_dimension_numbers<[1], [1], [0], [0], [0, 0, 1, 0], [], []>, transpose_lhs_hint = false} : vector<256x1024xf32>, vector<1024x1024xf32>, vector<256x1024xf32> -> vector<256x1024xf32>
    %get3A_6 = arith.constant 0 : index
    %get3A_7 = arith.constant 0 : index
    %get3A_8 = vector.load %arg7[%get3A_6, %get3A_7] : memref<1x1024xf32, #tpu.memory_space<vmem>>, vector<1x1024xf32>
    %add3A = vector.broadcast %get3A_8 : vector<1x1024xf32> to vector<256x1024xf32>
    %add3A_9 = arith.addf %dot_general3A_5, %add3A : vector<256x1024xf32>
    %get3A_10 = arith.constant 0 : index
    %get3A_11 = arith.constant 0 : index
    %get3A_12 = vector.load %arg2[%get3A_10, %get3A_11] : memref<256x1024xf32, #tpu.memory_space<vmem>>, vector<256x1024xf32>
    %get3A_13 = arith.constant 0 : index
    %get3A_14 = arith.constant 0 : index
    %get3A_15 = vector.load %arg3[%get3A_13, %get3A_14] : memref<1x1024xf32, #tpu.memory_space<vmem>>, vector<1x1024xf32>
    %mul3A = vector.broadcast %get3A_15 : vector<1x1024xf32> to vector<256x1024xf32>
    %mul3A_16 = arith.mulf %mul3A, %add3A_9 : vector<256x1024xf32>
    %add3A_17 = arith.addf %get3A_12, %mul3A_16 : vector<256x1024xf32>
    %get3A_18 = arith.constant 0 : index
    %get3A_19 = arith.constant 0 : index
    %get3A_20 = vector.load %arg4[%get3A_18, %get3A_19] : memref<1x1024xf32, #tpu.memory_space<vmem>>, vector<1x1024xf32>
    %add3A_21 = arith.constant 1.000000e+00 : f32
    %add3A_22 = vector.broadcast %add3A_21 : f32 to vector<1x1024xf32>
    %add3A_23 = arith.addf %add3A_22, %get3A_20 : vector<1x1024xf32>
    %reduce_sum3A = arith.constant dense<0.000000e+00> : vector<256xf32>
    %reduce_sum3A_24 = vector.multi_reduction <add>, %add3A_17, %reduce_sum3A [1] : vector<256x1024xf32> to vector<256xf32>
    %broadcast_in_dim3A = vector.shape_cast %reduce_sum3A_24 : vector<256xf32> to vector<256x1xf32>
    %div3A = arith.constant 1.024000e+03 : f32
    %div3A_25 = vector.broadcast %div3A : f32 to vector<256x1xf32>
    %div3A_26 = arith.divf %broadcast_in_dim3A, %div3A_25 : vector<256x1xf32>
    %sub3A = vector.broadcast %div3A_26 : vector<256x1xf32> to vector<256x1024xf32>
    %sub3A_27 = arith.subf %add3A_17, %sub3A : vector<256x1024xf32>
    %integer_pow3A = arith.mulf %sub3A_27, %sub3A_27 : vector<256x1024xf32>
    %reduce_sum3A_28 = arith.constant dense<0.000000e+00> : vector<256xf32>
    %reduce_sum3A_29 = vector.multi_reduction <add>, %integer_pow3A, %reduce_sum3A_28 [1] : vector<256x1024xf32> to vector<256xf32>
    %broadcast_in_dim3A_30 = vector.shape_cast %reduce_sum3A_29 : vector<256xf32> to vector<256x1xf32>
    %div3A_31 = arith.constant 1.024000e+03 : f32
    %div3A_32 = vector.broadcast %div3A_31 : f32 to vector<256x1xf32>
    %div3A_33 = arith.divf %broadcast_in_dim3A_30, %div3A_32 : vector<256x1xf32>
    %sub3A_34 = vector.broadcast %div3A_26 : vector<256x1xf32> to vector<256x1024xf32>
    %sub3A_35 = arith.subf %add3A_17, %sub3A_34 : vector<256x1024xf32>
    %add3A_36 = arith.constant 9.99999997E-7 : f32
    %add3A_37 = vector.broadcast %add3A_36 : f32 to vector<256x1xf32>
    %add3A_38 = arith.addf %div3A_33, %add3A_37 : vector<256x1xf32>
    %rsqrt3A = math.rsqrt %add3A_38 : vector<256x1xf32>
    %mul3A_39 = vector.broadcast %rsqrt3A : vector<256x1xf32> to vector<256x1024xf32>
    %mul3A_40 = arith.mulf %sub3A_35, %mul3A_39 : vector<256x1024xf32>
    %mul3A_41 = vector.broadcast %add3A_23 : vector<1x1024xf32> to vector<256x1024xf32>
    %mul3A_42 = arith.mulf %mul3A_41, %mul3A_40 : vector<256x1024xf32>
    %get3A_43 = arith.constant 0 : index
    %get3A_44 = arith.constant 0 : index
    %get3A_45 = vector.load %arg5[%get3A_43, %get3A_44] : memref<1x1024xf32, #tpu.memory_space<vmem>>, vector<1x1024xf32>
    %add3A_46 = vector.broadcast %get3A_45 : vector<1x1024xf32> to vector<256x1024xf32>
    %add3A_47 = arith.addf %mul3A_42, %add3A_46 : vector<256x1024xf32>
    %swap3A = arith.constant 0 : index
    %swap3A_48 = arith.constant 0 : index
    %swap3A_49 = vector.load %arg9[%swap3A, %swap3A_48] : memref<256x1024xf32, #tpu.memory_space<vmem>>, vector<256x1024xf32>
    tpu.vector_store %arg9[%swap3A, %swap3A_48], %add3A_17 {strides = array<i32>} : memref<256x1024xf32, #tpu.memory_space<vmem>>, vector<256x1024xf32>,
    %swap3A_50 = arith.constant 0 : index
    %swap3A_51 = arith.constant 0 : index
    %swap3A_52 = vector.load %arg10[%swap3A_50, %swap3A_51] : memref<256x1024xf32, #tpu.memory_space<vmem>>, vector<256x1024xf32>
    tpu.vector_store %arg10[%swap3A_50, %swap3A_51], %add3A_47 {strides = array<i32>} : memref<256x1024xf32, #tpu.memory_space<vmem>>, vector<256x1024xf32>,
    %get3A_53 = arith.constant 0 : index
    %get3A_54 = arith.constant 0 : index
    %get3A_55 = vector.load %arg8[%get3A_53, %get3A_54] : memref<128x1024xf32, #tpu.memory_space<vmem>>, vector<128x1024xf32>
    %dot_general3A_56 = arith.constant dense<0.000000e+00> : vector<256x128xf32>
    %dot_general3A_57 = tpu.matmul %add3A_47, %get3A_55, %dot_general3A_56 {dimension_numbers = #tpu.dot_dimension_numbers<[1], [1], [0], [0], [0, 0, 1, 0], [], []>, transpose_lhs_hint = false} : vector<256x1024xf32>, vector<128x1024xf32>, vector<256x128xf32> -> vector<256x128xf32>
    %swap3A_58 = arith.constant 0 : index
    %swap3A_59 = arith.constant 0 : index
    %swap3A_60 = vector.load %arg11[%swap3A_58, %swap3A_59] : memref<256x128xf32, #tpu.memory_space<vmem>>, vector<256x128xf32>
    tpu.vector_store %arg11[%swap3A_58, %swap3A_59], %dot_general3A_57 {strides = array<i32>} : memref<256x128xf32, #tpu.memory_space<vmem>>, vector<256x128xf32>,
    return
  }
  func.func @transform_0(%arg0: i32) -> (i32, i32) {
    %c0_i32 = arith.constant 0 : i32
    %c0_i32_0 = arith.constant 0 : i32
    return %arg0, %c0_i32 : i32, i32
  }
  func.func @transform_1(%arg0: i32) -> (i32, i32) {
    %c0_i32 = arith.constant 0 : i32
    %c0_i32_0 = arith.constant 0 : i32
    return %arg0, %c0_i32 : i32, i32
  }
  func.func @transform_2(%arg0: i32) -> (i32, i32) {
    %c0_i32 = arith.constant 0 : i32
    %c0_i32_0 = arith.constant 0 : i32
    %c0_i32_1 = arith.constant 0 : i32
    return %c0_i32, %c0_i32_0 : i32, i32
  }
  func.func @transform_3(%arg0: i32) -> (i32, i32) {
    %c0_i32 = arith.constant 0 : i32
    %c0_i32_0 = arith.constant 0 : i32
    %c0_i32_1 = arith.constant 0 : i32
    return %c0_i32, %c0_i32_0 : i32, i32
  }
  func.func @transform_4(%arg0: i32) -> (i32, i32) {
    %c0_i32 = arith.constant 0 : i32
    %c0_i32_0 = arith.constant 0 : i32
    %c0_i32_1 = arith.constant 0 : i32
    return %c0_i32, %c0_i32_0 : i32, i32
  }
  func.func @transform_5(%arg0: i32) -> (i32, i32) {
    %c0_i32 = arith.constant 0 : i32
    %c0_i32_0 = arith.constant 0 : i32
    %c0_i32_1 = arith.constant 0 : i32
    return %c0_i32, %c0_i32_0 : i32, i32
  }
  func.func @transform_6(%arg0: i32) -> (i32, i32) {
    %c0_i32 = arith.constant 0 : i32
    %c0_i32_0 = arith.constant 0 : i32
    %c0_i32_1 = arith.constant 0 : i32
    return %c0_i32, %c0_i32_0 : i32, i32
  }
  func.func @transform_7(%arg0: i32) -> (i32, i32) {
    %c0_i32 = arith.constant 0 : i32
    %c0_i32_0 = arith.constant 0 : i32
    %c0_i32_1 = arith.constant 0 : i32
    return %c0_i32, %c0_i32_0 : i32, i32
  }
  func.func @transform_8(%arg0: i32) -> (i32, i32) {
    %c0_i32 = arith.constant 0 : i32
    %c0_i32_0 = arith.constant 0 : i32
    return %arg0, %c0_i32 : i32, i32
  }
  func.func @transform_9(%arg0: i32) -> (i32, i32) {
    %c0_i32 = arith.constant 0 : i32
    %c0_i32_0 = arith.constant 0 : i32
    return %arg0, %c0_i32 : i32, i32
  }
  func.func @transform_10(%arg0: i32) -> (i32, i32) {
    %c0_i32 = arith.constant 0 : i32
    %c0_i32_0 = arith.constant 0 : i32
    return %arg0, %c0_i32 : i32, i32
  }
}

module attributes {stable_mosaic.version = 14 : i64} {
  func.func @_attn_body(%arg0: i32, %arg1: memref<2048x128xf32, #tpu.memory_space<vmem>>, %arg2: memref<2048x128xf32, #tpu.memory_space<vmem>>, %arg3: memref<2048x128xf32, #tpu.memory_space<vmem>>, %arg4: memref<2048x128xf32, #tpu.memory_space<vmem>>) attributes {dimension_semantics = [#tpu.dimension_semantics<arbitrary>], iteration_bounds = array<i64: 8>, scalar_prefetch = 0 : i64, scratch_operands = 0 : i64, tpu.core_type = #tpu.core_type<tc>, window_params = [{transform_indices = @transform_0, window_bounds = array<i64: 2048, 128>}, {transform_indices = @transform_1, window_bounds = array<i64: 2048, 128>}, {transform_indices = @transform_2, window_bounds = array<i64: 2048, 128>}, {transform_indices = @transform_3, window_bounds = array<i64: 2048, 128>}]} {
    %get3A = arith.constant 0 : index
    %get3A_0 = arith.constant 0 : index
    %get3A_1 = vector.load %arg1[%get3A, %get3A_0] : memref<2048x128xf32, #tpu.memory_space<vmem>>, vector<2048x64xf32>
    %get3A_2 = arith.constant 0 : index
    %get3A_3 = arith.constant 0 : index
    %get3A_4 = vector.load %arg2[%get3A_2, %get3A_3] : memref<2048x128xf32, #tpu.memory_space<vmem>>, vector<2048x64xf32>
    %get3A_5 = arith.constant 0 : index
    %get3A_6 = arith.constant 0 : index
    %get3A_7 = vector.load %arg3[%get3A_5, %get3A_6] : memref<2048x128xf32, #tpu.memory_space<vmem>>, vector<2048x64xf32>
    %dot_general3A = arith.constant dense<0.000000e+00> : vector<2048x2048xf32>
    %dot_general3A_8 = tpu.matmul %get3A_1, %get3A_4, %dot_general3A {dimension_numbers = #tpu.dot_dimension_numbers<[1], [1], [0], [0], [0, 0, 1, 0], [], []>, transpose_lhs_hint = false} : vector<2048x64xf32>, vector<2048x64xf32>, vector<2048x2048xf32> -> vector<2048x2048xf32>
    %mul3A = arith.constant 1.250000e-01 : f32
    %mul3A_9 = vector.broadcast %mul3A : f32 to vector<2048x2048xf32>
    %mul3A_10 = arith.mulf %dot_general3A_8, %mul3A_9 : vector<2048x2048xf32>
    %exp3A = math.exp %mul3A_10 : vector<2048x2048xf32>
    %dot_general3A_11 = arith.constant dense<0.000000e+00> : vector<2048x64xf32>
    %dot_general3A_12 = tpu.matmul %exp3A, %get3A_7, %dot_general3A_11 {dimension_numbers = #tpu.dot_dimension_numbers<[1], [0], [0], [1], [0, 0, 1, 1], [], []>, transpose_lhs_hint = false} : vector<2048x2048xf32>, vector<2048x64xf32>, vector<2048x64xf32> -> vector<2048x64xf32>
    %reduce_sum3A = arith.constant dense<0.000000e+00> : vector<2048xf32>
    %reduce_sum3A_13 = vector.multi_reduction <add>, %exp3A, %reduce_sum3A [1] : vector<2048x2048xf32> to vector<2048xf32>
    %broadcast_in_dim3A = vector.shape_cast %reduce_sum3A_13 : vector<2048xf32> to vector<2048x1xf32>
    %div3A = vector.broadcast %broadcast_in_dim3A : vector<2048x1xf32> to vector<2048x64xf32>
    %div3A_14 = arith.divf %dot_general3A_12, %div3A : vector<2048x64xf32>
    %swap3A = arith.constant 0 : index
    %swap3A_15 = arith.constant 0 : index
    %swap3A_16 = vector.load %arg4[%swap3A, %swap3A_15] : memref<2048x128xf32, #tpu.memory_space<vmem>>, vector<2048x64xf32>
    tpu.vector_store %arg4[%swap3A, %swap3A_15], %div3A_14 {strides = array<i32>} : memref<2048x128xf32, #tpu.memory_space<vmem>>, vector<2048x64xf32>,
    %get3A_17 = arith.constant 0 : index
    %get3A_18 = arith.constant 64 : index
    %get3A_19 = vector.load %arg1[%get3A_17, %get3A_18] : memref<2048x128xf32, #tpu.memory_space<vmem>>, vector<2048x64xf32>
    %get3A_20 = arith.constant 0 : index
    %get3A_21 = arith.constant 64 : index
    %get3A_22 = vector.load %arg2[%get3A_20, %get3A_21] : memref<2048x128xf32, #tpu.memory_space<vmem>>, vector<2048x64xf32>
    %get3A_23 = arith.constant 0 : index
    %get3A_24 = arith.constant 64 : index
    %get3A_25 = vector.load %arg3[%get3A_23, %get3A_24] : memref<2048x128xf32, #tpu.memory_space<vmem>>, vector<2048x64xf32>
    %dot_general3A_26 = arith.constant dense<0.000000e+00> : vector<2048x2048xf32>
    %dot_general3A_27 = tpu.matmul %get3A_19, %get3A_22, %dot_general3A_26 {dimension_numbers = #tpu.dot_dimension_numbers<[1], [1], [0], [0], [0, 0, 1, 0], [], []>, transpose_lhs_hint = false} : vector<2048x64xf32>, vector<2048x64xf32>, vector<2048x2048xf32> -> vector<2048x2048xf32>
    %mul3A_28 = arith.constant 1.250000e-01 : f32
    %mul3A_29 = vector.broadcast %mul3A_28 : f32 to vector<2048x2048xf32>
    %mul3A_30 = arith.mulf %dot_general3A_27, %mul3A_29 : vector<2048x2048xf32>
    %exp3A_31 = math.exp %mul3A_30 : vector<2048x2048xf32>
    %dot_general3A_32 = arith.constant dense<0.000000e+00> : vector<2048x64xf32>
    %dot_general3A_33 = tpu.matmul %exp3A_31, %get3A_25, %dot_general3A_32 {dimension_numbers = #tpu.dot_dimension_numbers<[1], [0], [0], [1], [0, 0, 1, 1], [], []>, transpose_lhs_hint = false} : vector<2048x2048xf32>, vector<2048x64xf32>, vector<2048x64xf32> -> vector<2048x64xf32>
    %reduce_sum3A_34 = arith.constant dense<0.000000e+00> : vector<2048xf32>
    %reduce_sum3A_35 = vector.multi_reduction <add>, %exp3A_31, %reduce_sum3A_34 [1] : vector<2048x2048xf32> to vector<2048xf32>
    %broadcast_in_dim3A_36 = vector.shape_cast %reduce_sum3A_35 : vector<2048xf32> to vector<2048x1xf32>
    %div3A_37 = vector.broadcast %broadcast_in_dim3A_36 : vector<2048x1xf32> to vector<2048x64xf32>
    %div3A_38 = arith.divf %dot_general3A_33, %div3A_37 : vector<2048x64xf32>
    %swap3A_39 = arith.constant 0 : index
    %swap3A_40 = arith.constant 64 : index
    %swap3A_41 = vector.load %arg4[%swap3A_39, %swap3A_40] : memref<2048x128xf32, #tpu.memory_space<vmem>>, vector<2048x64xf32>
    tpu.vector_store %arg4[%swap3A_39, %swap3A_40], %div3A_38 {strides = array<i32>} : memref<2048x128xf32, #tpu.memory_space<vmem>>, vector<2048x64xf32>,
    return
  }
  func.func @transform_0(%arg0: i32) -> (i32, i32) {
    %c0_i32 = arith.constant 0 : i32
    %c0_i32_0 = arith.constant 0 : i32
    return %c0_i32, %arg0 : i32, i32
  }
  func.func @transform_1(%arg0: i32) -> (i32, i32) {
    %c0_i32 = arith.constant 0 : i32
    %c0_i32_0 = arith.constant 0 : i32
    return %c0_i32, %arg0 : i32, i32
  }
  func.func @transform_2(%arg0: i32) -> (i32, i32) {
    %c0_i32 = arith.constant 0 : i32
    %c0_i32_0 = arith.constant 0 : i32
    return %c0_i32, %arg0 : i32, i32
  }
  func.func @transform_3(%arg0: i32) -> (i32, i32) {
    %c0_i32 = arith.constant 0 : i32
    %c0_i32_0 = arith.constant 0 : i32
    return %c0_i32, %arg0 : i32, i32
  }
}

module attributes {stable_mosaic.version = 14 : i64} {
  func.func @_shared_body(%arg0: i32, %arg1: memref<256x1024xf32, #tpu.memory_space<vmem>>, %arg2: memref<256x1024xf32, #tpu.memory_space<vmem>>, %arg3: memref<256x1024xf32, #tpu.memory_space<vmem>>, %arg4: memref<1x1024xf32, #tpu.memory_space<vmem>>, %arg5: memref<2048x1024xf32, #tpu.memory_space<vmem>>, %arg6: memref<2048x1024xf32, #tpu.memory_space<vmem>>, %arg7: memref<1024x2048xf32, #tpu.memory_space<vmem>>, %arg8: memref<256x1024xf32, #tpu.memory_space<vmem>>) attributes {dimension_semantics = [#tpu.dimension_semantics<arbitrary>], iteration_bounds = array<i64: 8>, scalar_prefetch = 0 : i64, scratch_operands = 0 : i64, tpu.core_type = #tpu.core_type<tc>, window_params = [{transform_indices = @transform_0, window_bounds = array<i64: 256, 1024>}, {transform_indices = @transform_1, window_bounds = array<i64: 256, 1024>}, {transform_indices = @transform_2, window_bounds = array<i64: 256, 1024>}, {pipeline_mode = #tpu.pipeline_mode<synchronous>, transform_indices = @transform_3, window_bounds = array<i64: 1, 1024>}, {pipeline_mode = #tpu.pipeline_mode<synchronous>, transform_indices = @transform_4, window_bounds = array<i64: 2048, 1024>}, {pipeline_mode = #tpu.pipeline_mode<synchronous>, transform_indices = @transform_5, window_bounds = array<i64: 2048, 1024>}, {pipeline_mode = #tpu.pipeline_mode<synchronous>, transform_indices = @transform_6, window_bounds = array<i64: 1024, 2048>}, {transform_indices = @transform_7, window_bounds = array<i64: 256, 1024>}]} {
    %get3A = arith.constant 0 : index
    %get3A_0 = arith.constant 0 : index
    %get3A_1 = vector.load %arg1[%get3A, %get3A_0] : memref<256x1024xf32, #tpu.memory_space<vmem>>, vector<256x1024xf32>
    %get3A_2 = arith.constant 0 : index
    %get3A_3 = arith.constant 0 : index
    %get3A_4 = vector.load %arg5[%get3A_2, %get3A_3] : memref<2048x1024xf32, #tpu.memory_space<vmem>>, vector<2048x1024xf32>
    %dot_general3A = arith.constant dense<0.000000e+00> : vector<256x2048xf32>
    %dot_general3A_5 = tpu.matmul %get3A_1, %get3A_4, %dot_general3A {dimension_numbers = #tpu.dot_dimension_numbers<[1], [1], [0], [0], [0, 0, 1, 0], [], []>, transpose_lhs_hint = false} : vector<256x1024xf32>, vector<2048x1024xf32>, vector<256x2048xf32> -> vector<256x2048xf32>
    %get3A_6 = arith.constant 0 : index
    %get3A_7 = arith.constant 0 : index
    %get3A_8 = vector.load %arg6[%get3A_6, %get3A_7] : memref<2048x1024xf32, #tpu.memory_space<vmem>>, vector<2048x1024xf32>
    %dot_general3A_9 = arith.constant dense<0.000000e+00> : vector<256x2048xf32>
    %dot_general3A_10 = tpu.matmul %get3A_1, %get3A_8, %dot_general3A_9 {dimension_numbers = #tpu.dot_dimension_numbers<[1], [1], [0], [0], [0, 0, 1, 0], [], []>, transpose_lhs_hint = false} : vector<256x1024xf32>, vector<2048x1024xf32>, vector<256x2048xf32> -> vector<256x2048xf32>
    %logistic3A = arith.negf %dot_general3A_5 : vector<256x2048xf32>
    %logistic3A_11 = math.exp %logistic3A : vector<256x2048xf32>
    %logistic3A_12 = arith.constant 1.000000e+00 : f32
    %logistic3A_13 = vector.broadcast %logistic3A_12 : f32 to vector<256x2048xf32>
    %logistic3A_14 = arith.addf %logistic3A_13, %logistic3A_11 : vector<256x2048xf32>
    %logistic3A_15 = arith.divf %logistic3A_13, %logistic3A_14 : vector<256x2048xf32>
    %mul3A = arith.mulf %dot_general3A_5, %logistic3A_15 : vector<256x2048xf32>
    %mul3A_16 = arith.mulf %mul3A, %dot_general3A_10 : vector<256x2048xf32>
    %get3A_17 = arith.constant 0 : index
    %get3A_18 = arith.constant 0 : index
    %get3A_19 = vector.load %arg7[%get3A_17, %get3A_18] : memref<1024x2048xf32, #tpu.memory_space<vmem>>, vector<1024x2048xf32>
    %dot_general3A_20 = arith.constant dense<0.000000e+00> : vector<256x1024xf32>
    %dot_general3A_21 = tpu.matmul %mul3A_16, %get3A_19, %dot_general3A_20 {dimension_numbers = #tpu.dot_dimension_numbers<[1], [1], [0], [0], [0, 0, 1, 0], [], []>, transpose_lhs_hint = false} : vector<256x2048xf32>, vector<1024x2048xf32>, vector<256x1024xf32> -> vector<256x1024xf32>
    %get3A_22 = arith.constant 0 : index
    %get3A_23 = arith.constant 0 : index
    %get3A_24 = vector.load %arg2[%get3A_22, %get3A_23] : memref<256x1024xf32, #tpu.memory_space<vmem>>, vector<256x1024xf32>
    %get3A_25 = arith.constant 0 : index
    %get3A_26 = arith.constant 0 : index
    %get3A_27 = vector.load %arg4[%get3A_25, %get3A_26] : memref<1x1024xf32, #tpu.memory_space<vmem>>, vector<1x1024xf32>
    %get3A_28 = arith.constant 0 : index
    %get3A_29 = arith.constant 0 : index
    %get3A_30 = vector.load %arg3[%get3A_28, %get3A_29] : memref<256x1024xf32, #tpu.memory_space<vmem>>, vector<256x1024xf32>
    %add3A = arith.addf %get3A_30, %dot_general3A_21 : vector<256x1024xf32>
    %mul3A_31 = vector.broadcast %get3A_27 : vector<1x1024xf32> to vector<256x1024xf32>
    %mul3A_32 = arith.mulf %mul3A_31, %add3A : vector<256x1024xf32>
    %add3A_33 = arith.addf %get3A_24, %mul3A_32 : vector<256x1024xf32>
    %swap3A = arith.constant 0 : index
    %swap3A_34 = arith.constant 0 : index
    %swap3A_35 = vector.load %arg8[%swap3A, %swap3A_34] : memref<256x1024xf32, #tpu.memory_space<vmem>>, vector<256x1024xf32>
    tpu.vector_store %arg8[%swap3A, %swap3A_34], %add3A_33 {strides = array<i32>} : memref<256x1024xf32, #tpu.memory_space<vmem>>, vector<256x1024xf32>,
    return
  }
  func.func @transform_0(%arg0: i32) -> (i32, i32) {
    %c0_i32 = arith.constant 0 : i32
    %c0_i32_0 = arith.constant 0 : i32
    return %arg0, %c0_i32 : i32, i32
  }
  func.func @transform_1(%arg0: i32) -> (i32, i32) {
    %c0_i32 = arith.constant 0 : i32
    %c0_i32_0 = arith.constant 0 : i32
    return %arg0, %c0_i32 : i32, i32
  }
  func.func @transform_2(%arg0: i32) -> (i32, i32) {
    %c0_i32 = arith.constant 0 : i32
    %c0_i32_0 = arith.constant 0 : i32
    return %arg0, %c0_i32 : i32, i32
  }
  func.func @transform_3(%arg0: i32) -> (i32, i32) {
    %c0_i32 = arith.constant 0 : i32
    %c0_i32_0 = arith.constant 0 : i32
    %c0_i32_1 = arith.constant 0 : i32
    return %c0_i32, %c0_i32_0 : i32, i32
  }
  func.func @transform_4(%arg0: i32) -> (i32, i32) {
    %c0_i32 = arith.constant 0 : i32
    %c0_i32_0 = arith.constant 0 : i32
    %c0_i32_1 = arith.constant 0 : i32
    return %c0_i32, %c0_i32_0 : i32, i32
  }
  func.func @transform_5(%arg0: i32) -> (i32, i32) {
    %c0_i32 = arith.constant 0 : i32
    %c0_i32_0 = arith.constant 0 : i32
    %c0_i32_1 = arith.constant 0 : i32
    return %c0_i32, %c0_i32_0 : i32, i32
  }
  func.func @transform_6(%arg0: i32) -> (i32, i32) {
    %c0_i32 = arith.constant 0 : i32
    %c0_i32_0 = arith.constant 0 : i32
    %c0_i32_1 = arith.constant 0 : i32
    return %c0_i32, %c0_i32_0 : i32, i32
  }
  func.func @transform_7(%arg0: i32) -> (i32, i32) {
    %c0_i32 = arith.constant 0 : i32
    %c0_i32_0 = arith.constant 0 : i32
    return %arg0, %c0_i32 : i32, i32
  }
}

</mosaic_0001>

<sc_bundles>
// kernel: gather_offload_async_start.1
scs
__scs_entry_jumppad:
0x0: {  	(pc) =	sbr.rel $0x88, $3  }
0x1: {  	(tag) =	ssettag $0x0;
	lr =	simm.s32 $0x1  }
0x2: {  	[smem:$0x3F93] =	sst lr;
	_ =	strace $0xD0000000  }
0x3: {  	_ = 	snop  }
0x4: {  	_ = 	snop  }
0x5: {  	_ = 	snop  }
0x6: {  	_ = 	snop  }
0x7: {  	_ = 	snop  }
__scs_overlays_trampoline_lowered:
0x8: {  	[smem:$0x3FA2] =	sst s0  }
0x9: {  	[smem:$0x3FA3] =	sst s1  }
0xa: {  	[smem:$0x3FA4] =	sst s2  }
0xb: {  	[smem:$0x3FA5] =	sst s3  }
0xc: {  	[smem:$0x3FA6] =	sst s4  }
0xd: {  	[smem:$0x3FA7] =	sst s5  }
0xe: {  	[smem:$0x3FA8] =	sst s6  }
0xf: {  	[smem:$0x3FA9] =	sst s7  }
0x10: {  	[smem:$0x3FAA] =	sst s8  }
0x11: {  	[smem:$0x3FAB] =	sst s9;
	s0 =	simm.s32 @!p0 $0x0  }
0x12: {  	s1 =	sld [smem:$0x3F91];
	s0 =	simm.s32 @p0 $0x1  }
0x13: {  	[smem:$0x3FAC] =	sst s0;
	s0 =	simm.s32 @!p1 $0x0  }
0x14: {  	s2 =	sld [smem:$0x3F90];
	s0 =	simm.s32 @p1 $0x1  }
0x15: {  	[smem:$0x3FAD] =	sst s0;
	s0 =	simm.s32 @!p2 $0x0  }
0x16: {  	s3 =	sld [smem:$0x3FDB];
	s0 =	simm.s32 @p2 $0x1  }
0x17: {  	s4 =	simm.s32 $0x1BF5;
	[smem:$0x3FAF] =	sst s0  }
0x18: {  	s0 =	sld [smem:$0x3F92];
	_ =	swait.ge [sflag:s4], $0x0  }
0x19: {  	s7 =	sld [smem:$0x3F93]  }
0x1a: {  	s8 =	sadd.s32 $0xFFFFE003, lr  }
0x1b: {  	s9 =	sadd.s32 $0xFFFFFEF7, lr;
	s5 =	simm.s32 $0xFFFFFFFF;
	p2 =	slt.u32 s8, $0xFFFFF086  }
0x1c: {  	p1 =	slt.u32 s9, $0xF7A;
	s5 =	simm.s32 @!p2 $0x0  }
0x1d: {  	s5 =	simm.s32 @p1 $0x1;
	p0 =	seq.s32 s7, s2  }
0x1e: {  	s7 =	smul.u32 @!p0 $0xF7A, s2;
	p2 =	seq.s32 @!p0 s5, $0x0  }
0x1f: {  	s9 =	smul.u32 $0xF7A, s1;
	s8 =	simm.s32 @!p0 $0x1BF5;
	p2 =	por !p2, p0  }
0x20: {  	[sflag:s8] =	ssyncset.s32 @!p0 $0xFFFFF086;
	s6 =	sadd.s32 @!p0 s3, s7;
	s7 =	simm.s32 @!p0 $0x108  }
0x21: {  	s3 =	sadd.s32 s3, s9;
	s6 =	sadd.s32 @!p0 $0x88, s6;
	s7 =	simm.s32 @p2 $0x1082  }
0x22: {  	[simem:s7], [sflag:s8] =	dma.local @!p0 [hbm:s6], $0xF7A  }
0x23: {  	s9 =	sor.u32 $0xD0000000, s2;
	s6 =	simm.s32 $0x108;
	_ =	swait.ge @!p0 [sflag:s8], $0x0  }
0x24: {  	s3 =	sadd.s32 $0x88, s3;
	s6 =	simm.s32 @!p1 $0x1082;
	[sflag:s4] =	ssyncset.s32 $0xFFFFF086  }
0x25: {  	[simem:s6], [sflag:s4] =	dma.local [hbm:s3], $0xF7A  }
0x26: {  	[smem:$0x3F93] =	sst s1;
	(tag) =	ssettag s2;
	_ =	strace s9  }
0x27: {  	s1 =	sld [smem:$0x3FA3]  }
0x28: {  	s2 =	sld [smem:$0x3FA4]  }
0x29: {  	s4 =	sld [smem:$0x3FA6]  }
0x2a: {  	p0 =	seq.s32 s5, $0x0;
	s5 =	sld [smem:$0x3FA7]  }
0x2b: {  	s6 =	sld [smem:$0x3FA8]  }
0x2c: {  	s7 =	sld [smem:$0x3FA9]  }
0x2d: {  	s3 =	simm.s32 $0x108;
	s8 =	sld [smem:$0x3FAA]  }
0x2e: {  	s3 =	simm.s32 @!p0 $0x1082;
	s9 =	sld [smem:$0x3FAB]  }
0x2f: {  	lr =	sadd.s32 s0, s3;
	s0 =	sld [smem:$0x3FA2]  }
0x30: {  	s3 =	sld [smem:$0x3FA5]  }
0x31: {  	[smem:$0x3FAE] =	sst s10  }
0x32: {  	s10 =	sld [smem:$0x3FAC];
	_ =	sdelay $0x3  }
0x33: {  	p0 =	seq.s32 s10, $0x1;
	s10 =	sld [smem:$0x3FAE];
	_ =	sdelay $0x3  }
0x34: {  	[smem:$0x3FAE] =	sst s10  }
0x35: {  	s10 =	sld [smem:$0x3FAD];
	_ =	sdelay $0x3  }
0x36: {  	p1 =	seq.s32 s10, $0x1;
	s10 =	sld [smem:$0x3FAE];
	_ =	sdelay $0x3  }
0x37: {  	[smem:$0x3FAE] =	sst s10  }
0x38: {  	s10 =	sld [smem:$0x3FAF]  }
0x39: {  	_ = 	snop;
	(pc) =	sbr.ind lr, $3  }
0x3a: {  	_ = 	snop  }
0x3b: {  	_ = 	snop  }
0x3c: {  	p2 =	seq.s32 s10, $0x1;
	s10 =	sld [smem:$0x3FAE]  }
0x3d: {  	_ =	shalt  }
0x3e: {  	_ =	shalt  }
0x3f: {  	_ =	shalt  }
0x40: {  	_ =	shalt  }
0x41: {  	_ =	shalt  }
0x42: {  	_ =	shalt  }
0x43: {  	_ =	shalt  }
0x44: {  	_ =	shalt  }
0x45: {  	_ =	shalt  }
0x46: {  	_ =	shalt  }
0x47: {  	_ =	shalt  }
0x48: {  	_ =	shalt  }
0x49: {  	_ =	shalt  }
0x4a: {  	_ =	shalt  }
0x4b: {  	_ =	shalt  }
0x4c: {  	_ =	shalt  }
0x4d: {  	_ =	shalt  }
0x4e: {  	_ =	shalt  }
0x4f: {  	_ =	shalt  }
0x50: {  	_ =	shalt  }
0x51: {  	_ =	shalt  }
0x52: {  	_ =	shalt  }
0x53: {  	_ =	shalt  }
0x54: {  	_ =	shalt  }
0x55: {  	_ =	shalt  }
0x56: {  	_ =	shalt  }
0x57: {  	_ =	shalt  }
0x58: {  	_ =	shalt  }
0x59: {  	_ =	shalt  }
0x5a: {  	_ =	shalt  }
0x5b: {  	_ =	shalt  }
0x5c: {  	_ =	shalt  }
0x5d: {  	_ =	shalt  }
0x5e: {  	_ =	shalt  }
0x5f: {  	_ =	shalt  }
0x60: {  	_ =	shalt  }
0x61: {  	_ =	shalt  }
0x62: {  	_ =	shalt  }
0x63: {  	_ =	shalt  }
0x64: {  	_ =	shalt  }
0x65: {  	_ =	shalt  }
0x66: {  	_ =	shalt  }
0x67: {  	_ =	shalt  }
0x68: {  	_ =	shalt  }
0x69: {  	_ =	shalt  }
0x6a: {  	_ =	shalt  }
0x6b: {  	_ =	shalt  }
0x6c: {  	_ =	shalt  }
0x6d: {  	_ =	shalt  }
0x6e: {  	_ =	shalt  }
0x6f: {  	_ =	shalt  }
0x70: {  	_ =	shalt  }
0x71: {  	_ =	shalt  }
0x72: {  	_ =	shalt  }
0x73: {  	_ =	shalt  }
0x74: {  	_ =	shalt  }
0x75: {  	_ =	shalt  }
0x76: {  	_ =	shalt  }
0x77: {  	_ =	shalt  }
0x78: {  	_ =	shalt  }
0x79: {  	_ =	shalt  }
0x7a: {  	_ =	shalt  }
0x7b: {  	_ =	shalt  }
0x7c: {  	_ =	shalt  }
0x7d: {  	_ =	shalt  }
0x7e: {  	_ =	shalt  }
0x7f: {  	_ =	shalt  }
0x80: {  	_ =	shalt  }
0x81: {  	_ =	shalt  }
0x82: {  	_ =	shalt  }
0x83: {  	_ =	shalt  }
0x84: {  	_ =	shalt  }
0x85: {  	_ =	shalt  }
0x86: {  	_ =	shalt  }
0x87: {  	_ =	shalt  }
.Lfunc_end0:
.L_simem_size_0:
called_computation.2_lowered:
.L_overlay_start_0:
0x88: {  	s2 =	sld [smem:$0x3FD9]  }
0x89: {  	s3 =	sld [smem:$0x3FFE];
	_ =	sdelay $0x1  }
0x8a: {  	s1 =	srdreg.scid  }
0x8b: {  	s0 =	sand.u32 $0x1, s1  }
0x8c: {  	s16 =	sshll.u32 s0, $0xA;
	s2 =	sadd.s32 s3, s2  }
0x8d: {  	s2 =	sadd.s32 s2, s16  }
0x8e: {  	[smem:$0x3FBA] =	sst s2  }
0x8f: {  	_ = 	snop  }
0x90: {  	(tm) =	ssettm $0x1  }
0x91: {  	s17 =	sld [smem:$0x3FFB];
	_ =	sdelay $0x3  }
0x92: {  	_ =	strace s17  }
0x93: {  	s2 =	sld [smem:$0x3FFC];
	_ =	sdelay $0x3  }
0x94: {  	_ =	strace s2  }
0x95: {  	s2 =	sld [smem:$0x3FFD];
	_ =	sdelay $0x3  }
0x96: {  	_ =	strace s2  }
0x97: {  	_ =	strace $0x8FFFFFFF  }
0x98: {  	s18 =	sld [smem:$0x3FDB];
	_ =	sdelay $0x1  }
0x99: {  	s19 =	simm.s32 $_scs_section_size  }
0x9a: {  	s4 =	simm.s32 $_size__tile_overlayer_lowered;
	s5 =	simm.s32 $_tile_overlayer_lowered  }
0x9b: {  	s22 =	simm.s32 $0x1BFF;
	s21 =	sshll.u32 s5, $0x1;
	s2 =	sadd.s32 s19, s18  }
0x9c: {  	s6 =	simm.s32 $0x0;
	s20 =	sshll.u32 s4, $0x1;
	s4 =	sadd.s32 s21, s2  }
0x9d: {  	[timem:s6], [sflag:s22] =	dma.local [hbm:s4], s20  }
0x9e: {  	_ =	swait.ge [sflag:s22], s20  }
0x9f: {  	s3 =	ssub.s32 $0x0, s20;
	[sflag:s22] =	ssyncset.done $0x0  }
0xa0: {  	[sflag:s22] =	ssyncadd.s32 s3;
	_ =	sdelay $0x1  }
0xa1: {  	s23 =	simm.s32 $0x1B8B  }
0xa2: {  	_ =	swait.ge [sflag:s23], $0x1  }
0xa3: {  	[sflag:s23] =	ssyncset.done $0x0  }
0xa4: {  	s25 =	simm.s32 $0x1B8E;
	s24 =	sld [smem:$0x3FFE];
	[sflag:s23] =	ssyncadd.s32 $0xFFFFFFFF  }
0xa5: {  	s26 =	simm.s32 $execute0_lowered;
	[smem:$0x3FD2] =	sst s25  }
0xa6: {  	s4 =	sshll.u32 s26, $0x1;
	_ =	strace $0x8000004C;
	[dreg:$0x1] =	wrdreg $0xFFFFFFFF  }
0xa7: {  	s28 =	simm.s32 $_size_execute0_lowered;
	s2 =	sadd.s32 s2, s4;
	[dreg:$0x0] =	wrdreg $0x0  }
0xa8: {  	s4 =	sshll.u32 s28, $0x1;
	[dreg:$0x2] =	wrdreg s2  }
0xa9: {  	[dreg:$0x3] =	wrdreg s4  }
0xaa: {  	[dreg:$0x4] =	wrdreg $0xC0  }
0xab: {  	_ =	task [dreg:s6], $0x5FFFF  }
0xac: {  	[dreg:$0x1] =	wrdreg $0xFFFFFFFF  }
0xad: {  	[dreg:$0x0] =	wrdreg $0x60  }
0xae: {  	[dreg:$0x2] =	wrdreg s24  }
0xaf: {  	[dreg:$0x3] =	wrdreg $0x9  }
0xb0: {  	_ =	task.clear_ibuf [dreg:s6], $0x4FFFF;
	_ =	strace $0x9000004C  }
0xb1: {  	s29 =	simm.s32 $0x9;
	_ =	strace $0x8000004E  }
0xb2: {  	_ =	swait.ge [sflag:s29], $0x1  }
0xb3: {  	[sflag:s29] =	ssyncadd.s32 $0xFFFFFFFF  }
0xb4: {  	_ =	strace $0x9000004E  }
0xb5: {  	_ =	sfence  }
0xb6: {  	s30 =	sld [smem:$0x0];
	_ =	sdelay $0x2  }
0xb7: {  	s31 =	sshll.u32 s1, $0xD;
	s1 =	sshrl.u32 s1, $0x2  }
0xb8: {  	s3 =	sand.u32 $0x4000, s31;
	s1 =	sadd.s32 s1, s30  }
0xb9: {  	s0 =	sor.u32 s3, s0;
	s1 =	sshll.u32 s1, $0x11  }
0xba: {  	s0 =	sor.u32 s1, s0  }
0xbb: {  	s0 =	sadd.s32 $0x8F2B, s0  }
0xbc: {  	[sflag:s0] =	ssyncadd.remote.s32 $0x1  }
0xbd: {  	_ =	sfence.sel $0xFFFF  }
0xbe: {  	[dreg:$0x0] =	wrdreg $0xFFFFFFFF;
	(pc) =	sbr.abs _section_cstart, $3  }
0xbf: {  	[dreg:$0x1] =	wrdreg $0xFFFFFFFF  }
0xc0: {  	_ =	task.clear_ibuf [dreg:s6], $0x2FFFF;
	_ =	strace $0x9FFFFFFF  }
0xc1: {  	(tm) =	ssettm $0x7FFFFFFF  }
tec
execute0_lowered:
.L_overlay_start_1:
0x0: {  	(tag) =	ssettag $0x1  }
0x1: {  	s0 =	srdreg.scid;
	s5 =	rddreg [dreg:$0x0]  }
0x2: {  	s1 =	stileid.u32;
	s6 =	simm.s32 $0x1;
	s9 =	simm.s32 $0x1  }
0x3: {  	s10 =	simm.s32 $0x3;
	s13 =	simm.s32 $0x0;
	s2 =	sshll.u32 s0, $0x6  }
0x4: {  	s12 =	simm.s32 $0x0;
	s3 =	sshll.u32 s1, $0x7;
	s2 =	sand.u32 $0x40, s2  }
0x5: {  	s0 =	rddreg [dreg:$0x1];
	_ =	strace $0x8000004D;
	s2 =	sor.u32 s3, s2  }
0x6: {  	s4 =	sadd.s32 $0x41200, s5;
	[sflag:s6] =	ssyncpa.u1 $0x0;
	s8 =	ssub.s32 $0x1000, s2  }
.Ltmp0:
0x7: {  	s3 =	sadd.s32 $0x41000, s5;
	s7 =	sand.u32 $0x7C0, s8;
	(pc) =	sbr.rel .LBB2_1-.Ltmp0, $4  }
0x8: {  	s5 =	sadd.s32 $0x43600, s5;
	s11 =	smov.u32 s2;
	p0 =	sne.s32 s7, $0x0  }
0x9: {  	s8 =	sshrl.u32 s8, $0xB;
	s7 =	simm.s32 $0x2;
	s9 =	simm.s32 @!p0 $0x0  }
0xa: {  	[sflag:s7] =	ssyncpa.u1 $0x0;
	p0 =	por $0x0, $0x0;
	s8 =	sadd.s32 s9, s8  }
0xb: {  	vm0 =	vmmov $0xffff;
	[sflag:s10] =	ssyncpa.u1 $0x0;
	s10 =	simm.s32 $0x0;
	s9 =	sadd.s32 $0x1, s8  }
.LBB2_4:
0xc: {  	v2 =	vnsel vm1, $0x0, v2  }
0xd: {  	vm1 =	vgt.s32 v0, $0x0;
	v2 =	vmin.u32 v2, $0xFFF  }
0xe: {  	v0 =	vnsel vm1, $0x0, v0  }
0xf: {  	v0 =	vmin.u32 v0, $0xFFF  }
0x10: {  	[tilespmem:s15], [sflag:$0x1] =	stream.indirect_vreg.gather [hbm4b:s3+s10], $0x1, v1, vm0, $0x4038;
	[tilespmem:$0x100] =	vst v63  }
0x11: {  	(ifvalue) =	ssetifvalue $0x7FFFFFFF  }
0x12: {  	[tilespmem:s16], [sflag:$0x1] =	stream.indirect_vreg.gather [hbm4b:s3+s10], $0x1, v2, vm0, $0x4038;
	[tilespmem:$0x100] =	vst v63  }
0x13: {  	s29 =	sadd.s32 $0x10, s16;
	(ifvalue) =	ssetifvalue $0x7FFFFFFF  }
0x14: {  	[tilespmem:s29], [sflag:$0x1] =	stream.indirect_vreg.gather [hbm4b:s3+s10], $0x1, v0, vm0, $0x4038;
	[tilespmem:$0x100] =	vst v63  }
0x15: {  	_ =	swait.ge [sflag:s6], $0x40  }
0x16: {  	s30 =	sshrl.u32 s13, $0x3;
	[sflag:s6] =	ssyncset.done $0x0  }
0x17: {  	s31 =	sand.u32 $0x7, s13;
	s15 =	sadd.s32 s5, s30;
	[sflag:s6] =	ssyncadd.s32 $0xFFFFFFC0  }
0x18: {  	[hbm4b:s15+s31] =	stream.linear.scatter [tilespmem:s14], [sflag:$0x3], $0x40, $0x38;
	[tilespmem:$0x100] =	vst v63  }
.LBB2_5:
0x19: {  	s15 =	sadd.s32 $0x800, s11  }
0x1a: {  	p2 =	sgt.s32 s15, $0xFFF  }
0x1b: {  	s15 =	smov.u32 @p2 s2;
	p2 =	sne.s32 s12, s9  }
.Ltmp1:
0x1c: {  	p1 =	slt.u32 s12, $0x2;
	(pc) =	sbr.rel @!p2 .LBB2_6-.Ltmp1, $4  }
0x1d: {  	s14 =	simm.s32 @!p1 $0x3  }
0x1e: {  	s16 =	sadd.s32 $0x1, s12;
	_ =	swait.ge @!p1 [sflag:s14], $0x40  }
0x1f: {  	s13 =	smov.u32 s11;
	p0 =	por !p0, !p0;
	[sflag:s14] =	ssyncset.done @!p1 $0x0  }
0x20: {  	s12 =	smov.u32 s16;
	s11 =	smov.u32 s15;
	[sflag:s14] =	ssyncadd.s32 @!p1 $0xFFFFFFC0  }
.LBB2_1:
0x21: {  	p1 =	sge.u32 s12, s8  }
0x22: {  	s14 =	sxor.u32 @!p1 $0xFFFFFFFF, s12  }
0x23: {  	s31 =	sadd.s32 $0xFFFFFFFF, s12;
	s15 =	sshrl.u32 @!p1 s11, $0x3;
	s14 =	sshll.u32 @!p1 s14, $0x6  }
0x24: {  	s16 =	sand.u32 @!p1 $0x7, s11;
	s15 =	sadd.s32 @!p1 s4, s15;
	s14 =	sand.u32 @!p1 $0x40, s14  }
0x25: {  	[tilespmem:s14], [sflag:$0x2] =	stream.linear.gather @!p1 [hbm4b:s15+s16], $0x40, $0x38;
	[tilespmem:$0x100] =	vst v63  }
0x26: {  	p1 =	sge.u32 s31, s8  }
.Ltmp2:
0x27: {  	_ = 	snop;
	(pc) =	sbr.rel @p1 .LBB2_5-.Ltmp2, $1  }
0x28: {  	_ =	sdelay $0x3  }
0x29: {  	s14 =	simm.s32 $0x1  }
0x2a: {  	_ =	swait.ge [sflag:s7], $0x40;
	s14 =	simm.s32 @!p0 $0x0  }
0x2b: {  	[sflag:s7] =	ssyncset.done $0x0;
	s14 =	sshll.u32 s14, $0x6  }
0x2c: {  	[sflag:s7] =	ssyncadd.s32 $0xFFFFFFC0;
	(ifvalue) =	ssetifvalue $0x7FFFFFFF;
	v0 =	vld.msk [tilespmem:s14+$0x0 ss:$0x1], $0xffff;
	_ =	sdelay $0x4  }
0x2d: {  	s15 =	sadd.s32 $0x10, s14;
	vm1 =	vgt.s32 v0, $0x0  }
0x2e: {  	v2 =	vld.msk [tilespmem:s15+$0x0 ss:$0x1], $0xffff;
	v1 =	vnsel vm1, $0x0, v0  }
0x2f: {  	v1 =	vmin.u32 v1, $0xFFF;
	_ =	sdelay $0x1  }
0x30: {  	s16 =	sshll.u32 s12, $0x6;
	s18 =	simm.s32 $0x20  }
0x31: {  	s16 =	sand.u32 $0x40, s16;
	s17 =	sadd.s32 $0x10, s15;
	s15 =	sor.u32 $0x80, s14  }
0x32: {  	s14 =	sor.u32 $0x80, s16;
	s16 =	sadd.s32 $0x10, s15;
	v0 =	vld.msk [tilespmem:s17+$0x0 ss:$0x1], $0xffff;
	vm1 =	vgt.s32 v2, $0x0;
	(ifvalue) =	ssetifvalue $0x7FFFFFFF  }
.LBB2_3:
0x33: {  	[tilespmem:s15], [sflag:$0x1] =	stream.indirect_vreg.gather [hbm4b:s3+s10], $0x1, v1, vm0, $0x4038;
	[tilespmem:$0x100] =	vst v63  }
0x34: {  	s18 =	sadd.s32 $0x10, s18  }
0x35: {  	v2 =	vnsel vm1, $0x0, v2;
	p1 =	slt.u32 s18, $0x30  }
.Ltmp3:
0x36: {  	s15 =	smov.u32 s16;
	v1 =	vmin.u32 v2, $0xFFF;
	(pc) =	sbr.rel @p1 .LBB2_3-.Ltmp3, $3  }
0x37: {  	_ =	sdelay $0x1  }
0x38: {  	s17 =	sadd.s32 $0x10, s17  }
0x39: {  	vm1 =	vgt.s32 v0, $0x0;
	s16 =	sadd.s32 $0x10, s16;
	v2 =	vmov v0;
	(ifvalue) =	ssetifvalue $0x7FFFFFFF;
	v0 =	vld.msk [tilespmem:s17+$0x0 ss:$0x1], $0xffff  }
.Ltmp4:
0x3a: {  	_ = 	snop;
	(pc) =	sbr.rel .LBB2_4-.Ltmp4, $1  }
0x3b: {  	_ =	sdelay $0x3  }
.LBB2_6:
0x3c: {  	_ =	sfence.sel $0x180000  }
0x3d: {  	s2 =	simm.s32 $0x2;
	[bflag:$0x0] =	sbarrier.arrive $0xFFFF  }
0x3e: {  	s30 =	simm.s32 $0x3;
	[sflag:s2] =	ssyncpa.u1 $0x1  }
0x3f: {  	s31 =	simm.s32 $0x1;
	[sflag:s30] =	ssyncpa.u1 $0x1  }
0x40: {  	[sflag:s31] =	ssyncpa.u1 $0x1  }
0x41: {  	p0 =	sne.s32 s1, $0x0;
	_ =	strace $0x9000004D  }
0x42: {  	s0 =	sadd.s32 @!p0 $0x100000, s0;
	[bflag:$0x2] =	sbarrier.arrive $0xFFFF  }
0x43: {  	[sflag:s0] =	ssyncadd.tile.s32 @!p0 $0x1;
	_ =	shalt  }
.Lfunc_end2:
_tile_overlayer_lowered:
.L_overlay_start_2:
0x44: {  	(tag) =	ssettag $0x2  }
0x45: {  	s0 =	rddreg [dreg:$0x0];
	s2 =	stileid.u32  }
0x46: {  	s1 =	rddreg [dreg:$0x1];
	p0 =	sne.s32 s2, $0x0  }
0x47: {  	s3 =	rddreg [dreg:$0x2];
	[bflag:$0x3] =	sbarrier.arrive $0xFFFF;
	s2 =	simm.s32 @!p0 $0x1C01  }
0x48: {  	[timem:s3], [sflag:s2] =	dma.local @!p0 [hbm:s0], s1  }
0x49: {  	s0 =	simm.s32 @!p0 $0x1  }
0x4a: {  	_ =	swait.ge @!p0 [sflag:s0], s1  }
0x4b: {  	s1 =	ssub.s32 @!p0 $0x0, s1;
	[sflag:s0] =	ssyncset.done @!p0 $0x0  }
0x4c: {  	[sflag:s0] =	ssyncadd.s32 @!p0 s1  }
0x4d: {  	[bflag:$0x3] =	sbarrier.arrive $0xFFFF  }
0x4e: {  	_ =	shalt  }

// kernel: gather_offload_async_start.2
scs
__scs_entry_jumppad:
0x0: {  	(pc) =	sbr.rel $0x88, $3  }
0x1: {  	(tag) =	ssettag $0x0;
	lr =	simm.s32 $0x1  }
0x2: {  	[smem:$0x3F93] =	sst lr;
	_ =	strace $0xD0000000  }
0x3: {  	_ = 	snop  }
0x4: {  	_ = 	snop  }
0x5: {  	_ = 	snop  }
0x6: {  	_ = 	snop  }
0x7: {  	_ = 	snop  }
__scs_overlays_trampoline_lowered:
0x8: {  	[smem:$0x3FA2] =	sst s0  }
0x9: {  	[smem:$0x3FA3] =	sst s1  }
0xa: {  	[smem:$0x3FA4] =	sst s2  }
0xb: {  	[smem:$0x3FA5] =	sst s3  }
0xc: {  	[smem:$0x3FA6] =	sst s4  }
0xd: {  	[smem:$0x3FA7] =	sst s5  }
0xe: {  	[smem:$0x3FA8] =	sst s6  }
0xf: {  	[smem:$0x3FA9] =	sst s7  }
0x10: {  	[smem:$0x3FAA] =	sst s8  }
0x11: {  	[smem:$0x3FAB] =	sst s9;
	s0 =	simm.s32 @!p0 $0x0  }
0x12: {  	s1 =	sld [smem:$0x3F91];
	s0 =	simm.s32 @p0 $0x1  }
0x13: {  	[smem:$0x3FAC] =	sst s0;
	s0 =	simm.s32 @!p1 $0x0  }
0x14: {  	s2 =	sld [smem:$0x3F90];
	s0 =	simm.s32 @p1 $0x1  }
0x15: {  	[smem:$0x3FAD] =	sst s0;
	s0 =	simm.s32 @!p2 $0x0  }
0x16: {  	s3 =	sld [smem:$0x3FDB];
	s0 =	simm.s32 @p2 $0x1  }
0x17: {  	s4 =	simm.s32 $0x1BF5;
	[smem:$0x3FAF] =	sst s0  }
0x18: {  	s0 =	sld [smem:$0x3F92];
	_ =	swait.ge [sflag:s4], $0x0  }
0x19: {  	s7 =	sld [smem:$0x3F93]  }
0x1a: {  	s8 =	sadd.s32 $0xFFFFE003, lr  }
0x1b: {  	s9 =	sadd.s32 $0xFFFFFEF7, lr;
	s5 =	simm.s32 $0xFFFFFFFF;
	p2 =	slt.u32 s8, $0xFFFFF086  }
0x1c: {  	p1 =	slt.u32 s9, $0xF7A;
	s5 =	simm.s32 @!p2 $0x0  }
0x1d: {  	s5 =	simm.s32 @p1 $0x1;
	p0 =	seq.s32 s7, s2  }
0x1e: {  	s7 =	smul.u32 @!p0 $0xF7A, s2;
	p2 =	seq.s32 @!p0 s5, $0x0  }
0x1f: {  	s9 =	smul.u32 $0xF7A, s1;
	s8 =	simm.s32 @!p0 $0x1BF5;
	p2 =	por !p2, p0  }
0x20: {  	[sflag:s8] =	ssyncset.s32 @!p0 $0xFFFFF086;
	s6 =	sadd.s32 @!p0 s3, s7;
	s7 =	simm.s32 @!p0 $0x108  }
0x21: {  	s3 =	sadd.s32 s3, s9;
	s6 =	sadd.s32 @!p0 $0x88, s6;
	s7 =	simm.s32 @p2 $0x1082  }
0x22: {  	[simem:s7], [sflag:s8] =	dma.local @!p0 [hbm:s6], $0xF7A  }
0x23: {  	s9 =	sor.u32 $0xD0000000, s2;
	s6 =	simm.s32 $0x108;
	_ =	swait.ge @!p0 [sflag:s8], $0x0  }
0x24: {  	s3 =	sadd.s32 $0x88, s3;
	s6 =	simm.s32 @!p1 $0x1082;
	[sflag:s4] =	ssyncset.s32 $0xFFFFF086  }
0x25: {  	[simem:s6], [sflag:s4] =	dma.local [hbm:s3], $0xF7A  }
0x26: {  	[smem:$0x3F93] =	sst s1;
	(tag) =	ssettag s2;
	_ =	strace s9  }
0x27: {  	s1 =	sld [smem:$0x3FA3]  }
0x28: {  	s2 =	sld [smem:$0x3FA4]  }
0x29: {  	s4 =	sld [smem:$0x3FA6]  }
0x2a: {  	p0 =	seq.s32 s5, $0x0;
	s5 =	sld [smem:$0x3FA7]  }
0x2b: {  	s6 =	sld [smem:$0x3FA8]  }
0x2c: {  	s7 =	sld [smem:$0x3FA9]  }
0x2d: {  	s3 =	simm.s32 $0x108;
	s8 =	sld [smem:$0x3FAA]  }
0x2e: {  	s3 =	simm.s32 @!p0 $0x1082;
	s9 =	sld [smem:$0x3FAB]  }
0x2f: {  	lr =	sadd.s32 s0, s3;
	s0 =	sld [smem:$0x3FA2]  }
0x30: {  	s3 =	sld [smem:$0x3FA5]  }
0x31: {  	[smem:$0x3FAE] =	sst s10  }
0x32: {  	s10 =	sld [smem:$0x3FAC];
	_ =	sdelay $0x3  }
0x33: {  	p0 =	seq.s32 s10, $0x1;
	s10 =	sld [smem:$0x3FAE];
	_ =	sdelay $0x3  }
0x34: {  	[smem:$0x3FAE] =	sst s10  }
0x35: {  	s10 =	sld [smem:$0x3FAD];
	_ =	sdelay $0x3  }
0x36: {  	p1 =	seq.s32 s10, $0x1;
	s10 =	sld [smem:$0x3FAE];
	_ =	sdelay $0x3  }
0x37: {  	[smem:$0x3FAE] =	sst s10  }
0x38: {  	s10 =	sld [smem:$0x3FAF]  }
0x39: {  	_ = 	snop;
	(pc) =	sbr.ind lr, $3  }
0x3a: {  	_ = 	snop  }
0x3b: {  	_ = 	snop  }
0x3c: {  	p2 =	seq.s32 s10, $0x1;
	s10 =	sld [smem:$0x3FAE]  }
0x3d: {  	_ =	shalt  }
0x3e: {  	_ =	shalt  }
0x3f: {  	_ =	shalt  }
0x40: {  	_ =	shalt  }
0x41: {  	_ =	shalt  }
0x42: {  	_ =	shalt  }
0x43: {  	_ =	shalt  }
0x44: {  	_ =	shalt  }
0x45: {  	_ =	shalt  }
0x46: {  	_ =	shalt  }
0x47: {  	_ =	shalt  }
0x48: {  	_ =	shalt  }
0x49: {  	_ =	shalt  }
0x4a: {  	_ =	shalt  }
0x4b: {  	_ =	shalt  }
0x4c: {  	_ =	shalt  }
0x4d: {  	_ =	shalt  }
0x4e: {  	_ =	shalt  }
0x4f: {  	_ =	shalt  }
0x50: {  	_ =	shalt  }
0x51: {  	_ =	shalt  }
0x52: {  	_ =	shalt  }
0x53: {  	_ =	shalt  }
0x54: {  	_ =	shalt  }
0x55: {  	_ =	shalt  }
0x56: {  	_ =	shalt  }
0x57: {  	_ =	shalt  }
0x58: {  	_ =	shalt  }
0x59: {  	_ =	shalt  }
0x5a: {  	_ =	shalt  }
0x5b: {  	_ =	shalt  }
0x5c: {  	_ =	shalt  }
0x5d: {  	_ =	shalt  }
0x5e: {  	_ =	shalt  }
0x5f: {  	_ =	shalt  }
0x60: {  	_ =	shalt  }
0x61: {  	_ =	shalt  }
0x62: {  	_ =	shalt  }
0x63: {  	_ =	shalt  }
0x64: {  	_ =	shalt  }
0x65: {  	_ =	shalt  }
0x66: {  	_ =	shalt  }
0x67: {  	_ =	shalt  }
0x68: {  	_ =	shalt  }
0x69: {  	_ =	shalt  }
0x6a: {  	_ =	shalt  }
0x6b: {  	_ =	shalt  }
0x6c: {  	_ =	shalt  }
0x6d: {  	_ =	shalt  }
0x6e: {  	_ =	shalt  }
0x6f: {  	_ =	shalt  }
0x70: {  	_ =	shalt  }
0x71: {  	_ =	shalt  }
0x72: {  	_ =	shalt  }
0x73: {  	_ =	shalt  }
0x74: {  	_ =	shalt  }
0x75: {  	_ =	shalt  }
0x76: {  	_ =	shalt  }
0x77: {  	_ =	shalt  }
0x78: {  	_ =	shalt  }
0x79: {  	_ =	shalt  }
0x7a: {  	_ =	shalt  }
0x7b: {  	_ =	shalt  }
0x7c: {  	_ =	shalt  }
0x7d: {  	_ =	shalt  }
0x7e: {  	_ =	shalt  }
0x7f: {  	_ =	shalt  }
0x80: {  	_ =	shalt  }
0x81: {  	_ =	shalt  }
0x82: {  	_ =	shalt  }
0x83: {  	_ =	shalt  }
0x84: {  	_ =	shalt  }
0x85: {  	_ =	shalt  }
0x86: {  	_ =	shalt  }
0x87: {  	_ =	shalt  }
.Lfunc_end0:
.L_simem_size_0:
called_computation.3_lowered:
.L_overlay_start_0:
0x88: {  	s2 =	sld [smem:$0x3FD9]  }
0x89: {  	s3 =	sld [smem:$0x3FFE];
	_ =	sdelay $0x1  }
0x8a: {  	s1 =	srdreg.scid  }
0x8b: {  	s0 =	sand.u32 $0x1, s1  }
0x8c: {  	s16 =	sshll.u32 s0, $0xA;
	s2 =	sadd.s32 s3, s2  }
0x8d: {  	s2 =	sadd.s32 s2, s16  }
0x8e: {  	[smem:$0x3FBA] =	sst s2  }
0x8f: {  	_ = 	snop  }
0x90: {  	(tm) =	ssettm $0x1  }
0x91: {  	s17 =	sld [smem:$0x3FFB];
	_ =	sdelay $0x3  }
0x92: {  	_ =	strace s17  }
0x93: {  	s2 =	sld [smem:$0x3FFC];
	_ =	sdelay $0x3  }
0x94: {  	_ =	strace s2  }
0x95: {  	s2 =	sld [smem:$0x3FFD];
	_ =	sdelay $0x3  }
0x96: {  	_ =	strace s2  }
0x97: {  	_ =	strace $0x8FFFFFFF  }
0x98: {  	s18 =	sld [smem:$0x3FDB];
	_ =	sdelay $0x1  }
0x99: {  	s19 =	simm.s32 $_scs_section_size  }
0x9a: {  	s4 =	simm.s32 $_size__tile_overlayer_lowered;
	s5 =	simm.s32 $_tile_overlayer_lowered  }
0x9b: {  	s22 =	simm.s32 $0x1BFF;
	s21 =	sshll.u32 s5, $0x1;
	s2 =	sadd.s32 s19, s18  }
0x9c: {  	s6 =	simm.s32 $0x0;
	s20 =	sshll.u32 s4, $0x1;
	s4 =	sadd.s32 s21, s2  }
0x9d: {  	[timem:s6], [sflag:s22] =	dma.local [hbm:s4], s20  }
0x9e: {  	_ =	swait.ge [sflag:s22], s20  }
0x9f: {  	s3 =	ssub.s32 $0x0, s20;
	[sflag:s22] =	ssyncset.done $0x0  }
0xa0: {  	[sflag:s22] =	ssyncadd.s32 s3;
	_ =	sdelay $0x1  }
0xa1: {  	s23 =	simm.s32 $0x1B8B  }
0xa2: {  	_ =	swait.ge [sflag:s23], $0x1  }
0xa3: {  	[sflag:s23] =	ssyncset.done $0x0  }
0xa4: {  	s25 =	simm.s32 $0x1B8E;
	s24 =	sld [smem:$0x3FFE];
	[sflag:s23] =	ssyncadd.s32 $0xFFFFFFFF  }
0xa5: {  	s26 =	simm.s32 $execute0_lowered;
	[smem:$0x3FD2] =	sst s25  }
0xa6: {  	s4 =	sshll.u32 s26, $0x1;
	_ =	strace $0x8000004F;
	[dreg:$0x1] =	wrdreg $0xFFFFFFFF  }
0xa7: {  	s28 =	simm.s32 $_size_execute0_lowered;
	s2 =	sadd.s32 s2, s4;
	[dreg:$0x0] =	wrdreg $0x0  }
0xa8: {  	s4 =	sshll.u32 s28, $0x1;
	[dreg:$0x2] =	wrdreg s2  }
0xa9: {  	[dreg:$0x3] =	wrdreg s4  }
0xaa: {  	[dreg:$0x4] =	wrdreg $0xC0  }
0xab: {  	_ =	task [dreg:s6], $0x5FFFF  }
0xac: {  	[dreg:$0x1] =	wrdreg $0xFFFFFFFF  }
0xad: {  	[dreg:$0x0] =	wrdreg $0x60  }
0xae: {  	[dreg:$0x2] =	wrdreg s24  }
0xaf: {  	[dreg:$0x3] =	wrdreg $0x9  }
0xb0: {  	_ =	task.clear_ibuf [dreg:s6], $0x4FFFF;
	_ =	strace $0x9000004F  }
0xb1: {  	s29 =	simm.s32 $0x9;
	_ =	strace $0x80000051  }
0xb2: {  	_ =	swait.ge [sflag:s29], $0x1  }
0xb3: {  	[sflag:s29] =	ssyncadd.s32 $0xFFFFFFFF  }
0xb4: {  	_ =	strace $0x90000051  }
0xb5: {  	_ =	sfence  }
0xb6: {  	s30 =	sld [smem:$0x0];
	_ =	sdelay $0x2  }
0xb7: {  	s31 =	sshll.u32 s1, $0xD;
	s1 =	sshrl.u32 s1, $0x2  }
0xb8: {  	s3 =	sand.u32 $0x4000, s31;
	s1 =	sadd.s32 s1, s30  }
0xb9: {  	s0 =	sor.u32 s3, s0;
	s1 =	sshll.u32 s1, $0x11  }
0xba: {  	s0 =	sor.u32 s1, s0  }
0xbb: {  	s0 =	sadd.s32 $0x8F2B, s0  }
0xbc: {  	[sflag:s0] =	ssyncadd.remote.s32 $0x1  }
0xbd: {  	_ =	sfence.sel $0xFFFF  }
0xbe: {  	[dreg:$0x0] =	wrdreg $0xFFFFFFFF;
	(pc) =	sbr.abs _section_cstart, $3  }
0xbf: {  	[dreg:$0x1] =	wrdreg $0xFFFFFFFF  }
0xc0: {  	_ =	task.clear_ibuf [dreg:s6], $0x2FFFF;
	_ =	strace $0x9FFFFFFF  }
0xc1: {  	(tm) =	ssettm $0x7FFFFFFF  }
tec
execute0_lowered:
.L_overlay_start_1:
0x0: {  	(tag) =	ssettag $0x1  }
0x1: {  	s0 =	srdreg.scid;
	s5 =	rddreg [dreg:$0x0]  }
0x2: {  	s1 =	stileid.u32;
	s6 =	simm.s32 $0x1;
	s9 =	simm.s32 $0x1  }
0x3: {  	s10 =	simm.s32 $0x3;
	s13 =	simm.s32 $0x0;
	s2 =	sshll.u32 s0, $0x7  }
0x4: {  	s12 =	simm.s32 $0x0;
	s3 =	sshll.u32 s1, $0x8;
	s2 =	sand.u32 $0x80, s2  }
0x5: {  	s0 =	rddreg [dreg:$0x1];
	_ =	strace $0x80000050;
	s2 =	sor.u32 s3, s2  }
0x6: {  	s4 =	sadd.s32 $0x43800, s5;
	[sflag:s6] =	ssyncpa.u1 $0x0;
	s8 =	ssub.s32 $0x1800, s2  }
.Ltmp0:
0x7: {  	s3 =	sadd.s32 $0x43600, s5;
	s7 =	sand.u32 $0xF80, s8;
	(pc) =	sbr.rel .LBB2_1-.Ltmp0, $4  }
0x8: {  	s5 =	sadd.s32 $0x40E00, s5;
	s11 =	smov.u32 s2;
	p0 =	sne.s32 s7, $0x0  }
0x9: {  	s8 =	sshrl.u32 s8, $0xC;
	s7 =	simm.s32 $0x2;
	s9 =	simm.s32 @!p0 $0x0  }
0xa: {  	[sflag:s7] =	ssyncpa.u1 $0x0;
	p0 =	por $0x0, $0x0;
	s8 =	sadd.s32 s9, s8  }
0xb: {  	vm0 =	vmmov $0xffff;
	[sflag:s10] =	ssyncpa.u1 $0x0;
	s10 =	simm.s32 $0x0;
	s9 =	sadd.s32 $0x1, s8  }
.LBB2_4:
0xc: {  	v2 =	vnsel vm1, $0x0, v2  }
0xd: {  	vm1 =	vgt.s32 v0, $0x0;
	v2 =	vmin.u32 v2, $0xFFF  }
0xe: {  	v0 =	vnsel vm1, $0x0, v0  }
0xf: {  	v0 =	vmin.u32 v0, $0xFFF  }
0x10: {  	[tilespmem:s15], [sflag:$0x1] =	stream.indirect_vreg.gather [hbm4b:s3+s10], $0x1, v1, vm0, $0x4038;
	[tilespmem:$0x200] =	vst v63  }
0x11: {  	(ifvalue) =	ssetifvalue $0x7FFFFFFF  }
0x12: {  	[tilespmem:s16], [sflag:$0x1] =	stream.indirect_vreg.gather [hbm4b:s3+s10], $0x1, v2, vm0, $0x4038;
	[tilespmem:$0x200] =	vst v63  }
0x13: {  	s29 =	sadd.s32 $0x10, s16;
	(ifvalue) =	ssetifvalue $0x7FFFFFFF  }
0x14: {  	[tilespmem:s29], [sflag:$0x1] =	stream.indirect_vreg.gather [hbm4b:s3+s10], $0x1, v0, vm0, $0x4038;
	[tilespmem:$0x200] =	vst v63  }
0x15: {  	_ =	swait.ge [sflag:s6], $0x80  }
0x16: {  	s30 =	sshrl.u32 s13, $0x3;
	[sflag:s6] =	ssyncset.done $0x0  }
0x17: {  	s31 =	sand.u32 $0x7, s13;
	s15 =	sadd.s32 s5, s30;
	[sflag:s6] =	ssyncadd.s32 $0xFFFFFF80  }
0x18: {  	[hbm4b:s15+s31] =	stream.linear.scatter [tilespmem:s14], [sflag:$0x3], $0x80, $0x38;
	[tilespmem:$0x200] =	vst v63  }
.LBB2_5:
0x19: {  	s15 =	sadd.s32 $0x1000, s11  }
0x1a: {  	p2 =	sgt.s32 s15, $0x17FF  }
0x1b: {  	s15 =	smov.u32 @p2 s2;
	p2 =	sne.s32 s12, s9  }
.Ltmp1:
0x1c: {  	p1 =	slt.u32 s12, $0x2;
	(pc) =	sbr.rel @!p2 .LBB2_6-.Ltmp1, $4  }
0x1d: {  	s14 =	simm.s32 @!p1 $0x3  }
0x1e: {  	s16 =	sadd.s32 $0x1, s12;
	_ =	swait.ge @!p1 [sflag:s14], $0x80  }
0x1f: {  	s13 =	smov.u32 s11;
	p0 =	por !p0, !p0;
	[sflag:s14] =	ssyncset.done @!p1 $0x0  }
0x20: {  	s12 =	smov.u32 s16;
	s11 =	smov.u32 s15;
	[sflag:s14] =	ssyncadd.s32 @!p1 $0xFFFFFF80  }
.LBB2_1:
0x21: {  	p1 =	sge.u32 s12, s8  }
0x22: {  	s14 =	sxor.u32 @!p1 $0xFFFFFFFF, s12  }
0x23: {  	s31 =	sadd.s32 $0xFFFFFFFF, s12;
	s15 =	sshrl.u32 @!p1 s11, $0x3;
	s14 =	sshll.u32 @!p1 s14, $0x7  }
0x24: {  	s16 =	sand.u32 @!p1 $0x7, s11;
	s15 =	sadd.s32 @!p1 s4, s15;
	s14 =	sand.u32 @!p1 $0x80, s14  }
0x25: {  	[tilespmem:s14], [sflag:$0x2] =	stream.linear.gather @!p1 [hbm4b:s15+s16], $0x80, $0x38;
	[tilespmem:$0x200] =	vst v63  }
0x26: {  	p1 =	sge.u32 s31, s8  }
.Ltmp2:
0x27: {  	_ = 	snop;
	(pc) =	sbr.rel @p1 .LBB2_5-.Ltmp2, $1  }
0x28: {  	_ =	sdelay $0x3  }
0x29: {  	s14 =	simm.s32 $0x1  }
0x2a: {  	_ =	swait.ge [sflag:s7], $0x80;
	s14 =	simm.s32 @!p0 $0x0  }
0x2b: {  	[sflag:s7] =	ssyncset.done $0x0;
	s14 =	sshll.u32 s14, $0x7  }
0x2c: {  	[sflag:s7] =	ssyncadd.s32 $0xFFFFFF80;
	(ifvalue) =	ssetifvalue $0x7FFFFFFF;
	v0 =	vld.msk [tilespmem:s14+$0x0 ss:$0x1], $0xffff;
	_ =	sdelay $0x4  }
0x2d: {  	s15 =	sadd.s32 $0x10, s14;
	vm1 =	vgt.s32 v0, $0x0  }
0x2e: {  	v2 =	vld.msk [tilespmem:s15+$0x0 ss:$0x1], $0xffff;
	v1 =	vnsel vm1, $0x0, v0  }
0x2f: {  	v1 =	vmin.u32 v1, $0xFFF;
	_ =	sdelay $0x1  }
0x30: {  	s16 =	sshll.u32 s12, $0x7;
	s18 =	simm.s32 $0x20  }
0x31: {  	s16 =	sand.u32 $0x80, s16;
	s17 =	sadd.s32 $0x10, s15;
	s15 =	sor.u32 $0x100, s14  }
0x32: {  	s14 =	sor.u32 $0x100, s16;
	s16 =	sadd.s32 $0x10, s15;
	v0 =	vld.msk [tilespmem:s17+$0x0 ss:$0x1], $0xffff;
	vm1 =	vgt.s32 v2, $0x0;
	(ifvalue) =	ssetifvalue $0x7FFFFFFF  }
.LBB2_3:
0x33: {  	[tilespmem:s15], [sflag:$0x1] =	stream.indirect_vreg.gather [hbm4b:s3+s10], $0x1, v1, vm0, $0x4038;
	[tilespmem:$0x200] =	vst v63  }
0x34: {  	s18 =	sadd.s32 $0x10, s18  }
0x35: {  	v2 =	vnsel vm1, $0x0, v2;
	p1 =	slt.u32 s18, $0x70  }
.Ltmp3:
0x36: {  	s15 =	smov.u32 s16;
	v1 =	vmin.u32 v2, $0xFFF;
	(pc) =	sbr.rel @p1 .LBB2_3-.Ltmp3, $3  }
0x37: {  	_ =	sdelay $0x1  }
0x38: {  	s17 =	sadd.s32 $0x10, s17  }
0x39: {  	vm1 =	vgt.s32 v0, $0x0;
	s16 =	sadd.s32 $0x10, s16;
	v2 =	vmov v0;
	(ifvalue) =	ssetifvalue $0x7FFFFFFF;
	v0 =	vld.msk [tilespmem:s17+$0x0 ss:$0x1], $0xffff  }
.Ltmp4:
0x3a: {  	_ = 	snop;
	(pc) =	sbr.rel .LBB2_4-.Ltmp4, $1  }
0x3b: {  	_ =	sdelay $0x3  }
.LBB2_6:
0x3c: {  	_ =	sfence.sel $0x180000  }
0x3d: {  	s2 =	simm.s32 $0x2;
	[bflag:$0x0] =	sbarrier.arrive $0xFFFF  }
0x3e: {  	s30 =	simm.s32 $0x3;
	[sflag:s2] =	ssyncpa.u1 $0x1  }
0x3f: {  	s31 =	simm.s32 $0x1;
	[sflag:s30] =	ssyncpa.u1 $0x1  }
0x40: {  	[sflag:s31] =	ssyncpa.u1 $0x1  }
0x41: {  	p0 =	sne.s32 s1, $0x0;
	_ =	strace $0x90000050  }
0x42: {  	s0 =	sadd.s32 @!p0 $0x100000, s0;
	[bflag:$0x2] =	sbarrier.arrive $0xFFFF  }
0x43: {  	[sflag:s0] =	ssyncadd.tile.s32 @!p0 $0x1;
	_ =	shalt  }
.Lfunc_end2:
_tile_overlayer_lowered:
.L_overlay_start_2:
0x44: {  	(tag) =	ssettag $0x2  }
0x45: {  	s0 =	rddreg [dreg:$0x0];
	s2 =	stileid.u32  }
0x46: {  	s1 =	rddreg [dreg:$0x1];
	p0 =	sne.s32 s2, $0x0  }
0x47: {  	s3 =	rddreg [dreg:$0x2];
	[bflag:$0x3] =	sbarrier.arrive $0xFFFF;
	s2 =	simm.s32 @!p0 $0x1C01  }
0x48: {  	[timem:s3], [sflag:s2] =	dma.local @!p0 [hbm:s0], s1  }
0x49: {  	s0 =	simm.s32 @!p0 $0x1  }
0x4a: {  	_ =	swait.ge @!p0 [sflag:s0], s1  }
0x4b: {  	s1 =	ssub.s32 @!p0 $0x0, s1;
	[sflag:s0] =	ssyncset.done @!p0 $0x0  }
0x4c: {  	[sflag:s0] =	ssyncadd.s32 @!p0 s1  }
0x4d: {  	[bflag:$0x3] =	sbarrier.arrive $0xFFFF  }
0x4e: {  	_ =	shalt  }

// kernel: gather_offload_async_start.3
scs
__scs_entry_jumppad:
0x0: {  	(pc) =	sbr.rel $0x88, $3  }
0x1: {  	(tag) =	ssettag $0x0;
	lr =	simm.s32 $0x1  }
0x2: {  	[smem:$0x3F93] =	sst lr;
	_ =	strace $0xD0000000  }
0x3: {  	_ = 	snop  }
0x4: {  	_ = 	snop  }
0x5: {  	_ = 	snop  }
0x6: {  	_ = 	snop  }
0x7: {  	_ = 	snop  }
__scs_overlays_trampoline_lowered:
0x8: {  	[smem:$0x3FA2] =	sst s0  }
0x9: {  	[smem:$0x3FA3] =	sst s1  }
0xa: {  	[smem:$0x3FA4] =	sst s2  }
0xb: {  	[smem:$0x3FA5] =	sst s3  }
0xc: {  	[smem:$0x3FA6] =	sst s4  }
0xd: {  	[smem:$0x3FA7] =	sst s5  }
0xe: {  	[smem:$0x3FA8] =	sst s6  }
0xf: {  	[smem:$0x3FA9] =	sst s7  }
0x10: {  	[smem:$0x3FAA] =	sst s8  }
0x11: {  	[smem:$0x3FAB] =	sst s9;
	s0 =	simm.s32 @!p0 $0x0  }
0x12: {  	s1 =	sld [smem:$0x3F91];
	s0 =	simm.s32 @p0 $0x1  }
0x13: {  	[smem:$0x3FAC] =	sst s0;
	s0 =	simm.s32 @!p1 $0x0  }
0x14: {  	s2 =	sld [smem:$0x3F90];
	s0 =	simm.s32 @p1 $0x1  }
0x15: {  	[smem:$0x3FAD] =	sst s0;
	s0 =	simm.s32 @!p2 $0x0  }
0x16: {  	s3 =	sld [smem:$0x3FDB];
	s0 =	simm.s32 @p2 $0x1  }
0x17: {  	s4 =	simm.s32 $0x1BF5;
	[smem:$0x3FAF] =	sst s0  }
0x18: {  	s0 =	sld [smem:$0x3F92];
	_ =	swait.ge [sflag:s4], $0x0  }
0x19: {  	s7 =	sld [smem:$0x3F93]  }
0x1a: {  	s8 =	sadd.s32 $0xFFFFE003, lr  }
0x1b: {  	s9 =	sadd.s32 $0xFFFFFEF7, lr;
	s5 =	simm.s32 $0xFFFFFFFF;
	p2 =	slt.u32 s8, $0xFFFFF086  }
0x1c: {  	p1 =	slt.u32 s9, $0xF7A;
	s5 =	simm.s32 @!p2 $0x0  }
0x1d: {  	s5 =	simm.s32 @p1 $0x1;
	p0 =	seq.s32 s7, s2  }
0x1e: {  	s7 =	smul.u32 @!p0 $0xF7A, s2;
	p2 =	seq.s32 @!p0 s5, $0x0  }
0x1f: {  	s9 =	smul.u32 $0xF7A, s1;
	s8 =	simm.s32 @!p0 $0x1BF5;
	p2 =	por !p2, p0  }
0x20: {  	[sflag:s8] =	ssyncset.s32 @!p0 $0xFFFFF086;
	s6 =	sadd.s32 @!p0 s3, s7;
	s7 =	simm.s32 @!p0 $0x108  }
0x21: {  	s3 =	sadd.s32 s3, s9;
	s6 =	sadd.s32 @!p0 $0x88, s6;
	s7 =	simm.s32 @p2 $0x1082  }
0x22: {  	[simem:s7], [sflag:s8] =	dma.local @!p0 [hbm:s6], $0xF7A  }
0x23: {  	s9 =	sor.u32 $0xD0000000, s2;
	s6 =	simm.s32 $0x108;
	_ =	swait.ge @!p0 [sflag:s8], $0x0  }
0x24: {  	s3 =	sadd.s32 $0x88, s3;
	s6 =	simm.s32 @!p1 $0x1082;
	[sflag:s4] =	ssyncset.s32 $0xFFFFF086  }
0x25: {  	[simem:s6], [sflag:s4] =	dma.local [hbm:s3], $0xF7A  }
0x26: {  	[smem:$0x3F93] =	sst s1;
	(tag) =	ssettag s2;
	_ =	strace s9  }
0x27: {  	s1 =	sld [smem:$0x3FA3]  }
0x28: {  	s2 =	sld [smem:$0x3FA4]  }
0x29: {  	s4 =	sld [smem:$0x3FA6]  }
0x2a: {  	p0 =	seq.s32 s5, $0x0;
	s5 =	sld [smem:$0x3FA7]  }
0x2b: {  	s6 =	sld [smem:$0x3FA8]  }
0x2c: {  	s7 =	sld [smem:$0x3FA9]  }
0x2d: {  	s3 =	simm.s32 $0x108;
	s8 =	sld [smem:$0x3FAA]  }
0x2e: {  	s3 =	simm.s32 @!p0 $0x1082;
	s9 =	sld [smem:$0x3FAB]  }
0x2f: {  	lr =	sadd.s32 s0, s3;
	s0 =	sld [smem:$0x3FA2]  }
0x30: {  	s3 =	sld [smem:$0x3FA5]  }
0x31: {  	[smem:$0x3FAE] =	sst s10  }
0x32: {  	s10 =	sld [smem:$0x3FAC];
	_ =	sdelay $0x3  }
0x33: {  	p0 =	seq.s32 s10, $0x1;
	s10 =	sld [smem:$0x3FAE];
	_ =	sdelay $0x3  }
0x34: {  	[smem:$0x3FAE] =	sst s10  }
0x35: {  	s10 =	sld [smem:$0x3FAD];
	_ =	sdelay $0x3  }
0x36: {  	p1 =	seq.s32 s10, $0x1;
	s10 =	sld [smem:$0x3FAE];
	_ =	sdelay $0x3  }
0x37: {  	[smem:$0x3FAE] =	sst s10  }
0x38: {  	s10 =	sld [smem:$0x3FAF]  }
0x39: {  	_ = 	snop;
	(pc) =	sbr.ind lr, $3  }
0x3a: {  	_ = 	snop  }
0x3b: {  	_ = 	snop  }
0x3c: {  	p2 =	seq.s32 s10, $0x1;
	s10 =	sld [smem:$0x3FAE]  }
0x3d: {  	_ =	shalt  }
0x3e: {  	_ =	shalt  }
0x3f: {  	_ =	shalt  }
0x40: {  	_ =	shalt  }
0x41: {  	_ =	shalt  }
0x42: {  	_ =	shalt  }
0x43: {  	_ =	shalt  }
0x44: {  	_ =	shalt  }
0x45: {  	_ =	shalt  }
0x46: {  	_ =	shalt  }
0x47: {  	_ =	shalt  }
0x48: {  	_ =	shalt  }
0x49: {  	_ =	shalt  }
0x4a: {  	_ =	shalt  }
0x4b: {  	_ =	shalt  }
0x4c: {  	_ =	shalt  }
0x4d: {  	_ =	shalt  }
0x4e: {  	_ =	shalt  }
0x4f: {  	_ =	shalt  }
0x50: {  	_ =	shalt  }
0x51: {  	_ =	shalt  }
0x52: {  	_ =	shalt  }
0x53: {  	_ =	shalt  }
0x54: {  	_ =	shalt  }
0x55: {  	_ =	shalt  }
0x56: {  	_ =	shalt  }
0x57: {  	_ =	shalt  }
0x58: {  	_ =	shalt  }
0x59: {  	_ =	shalt  }
0x5a: {  	_ =	shalt  }
0x5b: {  	_ =	shalt  }
0x5c: {  	_ =	shalt  }
0x5d: {  	_ =	shalt  }
0x5e: {  	_ =	shalt  }
0x5f: {  	_ =	shalt  }
0x60: {  	_ =	shalt  }
0x61: {  	_ =	shalt  }
0x62: {  	_ =	shalt  }
0x63: {  	_ =	shalt  }
0x64: {  	_ =	shalt  }
0x65: {  	_ =	shalt  }
0x66: {  	_ =	shalt  }
0x67: {  	_ =	shalt  }
0x68: {  	_ =	shalt  }
0x69: {  	_ =	shalt  }
0x6a: {  	_ =	shalt  }
0x6b: {  	_ =	shalt  }
0x6c: {  	_ =	shalt  }
0x6d: {  	_ =	shalt  }
0x6e: {  	_ =	shalt  }
0x6f: {  	_ =	shalt  }
0x70: {  	_ =	shalt  }
0x71: {  	_ =	shalt  }
0x72: {  	_ =	shalt  }
0x73: {  	_ =	shalt  }
0x74: {  	_ =	shalt  }
0x75: {  	_ =	shalt  }
0x76: {  	_ =	shalt  }
0x77: {  	_ =	shalt  }
0x78: {  	_ =	shalt  }
0x79: {  	_ =	shalt  }
0x7a: {  	_ =	shalt  }
0x7b: {  	_ =	shalt  }
0x7c: {  	_ =	shalt  }
0x7d: {  	_ =	shalt  }
0x7e: {  	_ =	shalt  }
0x7f: {  	_ =	shalt  }
0x80: {  	_ =	shalt  }
0x81: {  	_ =	shalt  }
0x82: {  	_ =	shalt  }
0x83: {  	_ =	shalt  }
0x84: {  	_ =	shalt  }
0x85: {  	_ =	shalt  }
0x86: {  	_ =	shalt  }
0x87: {  	_ =	shalt  }
.Lfunc_end0:
.L_simem_size_0:
called_computation.4_lowered:
.L_overlay_start_0:
0x88: {  	s2 =	sld [smem:$0x3FD9]  }
0x89: {  	s3 =	sld [smem:$0x3FFE];
	_ =	sdelay $0x1  }
0x8a: {  	s1 =	srdreg.scid  }
0x8b: {  	s0 =	sand.u32 $0x1, s1  }
0x8c: {  	s16 =	sshll.u32 s0, $0xA;
	s2 =	sadd.s32 s3, s2  }
0x8d: {  	s2 =	sadd.s32 s2, s16  }
0x8e: {  	[smem:$0x3FBA] =	sst s2  }
0x8f: {  	_ = 	snop  }
0x90: {  	(tm) =	ssettm $0x1  }
0x91: {  	s17 =	sld [smem:$0x3FFB];
	_ =	sdelay $0x3  }
0x92: {  	_ =	strace s17  }
0x93: {  	s2 =	sld [smem:$0x3FFC];
	_ =	sdelay $0x3  }
0x94: {  	_ =	strace s2  }
0x95: {  	s2 =	sld [smem:$0x3FFD];
	_ =	sdelay $0x3  }
0x96: {  	_ =	strace s2  }
0x97: {  	_ =	strace $0x8FFFFFFF  }
0x98: {  	s18 =	sld [smem:$0x3FDB];
	_ =	sdelay $0x1  }
0x99: {  	s19 =	simm.s32 $_scs_section_size  }
0x9a: {  	s4 =	simm.s32 $_size__tile_overlayer_lowered;
	s5 =	simm.s32 $_tile_overlayer_lowered  }
0x9b: {  	s22 =	simm.s32 $0x1BFF;
	s21 =	sshll.u32 s5, $0x1;
	s2 =	sadd.s32 s19, s18  }
0x9c: {  	s6 =	simm.s32 $0x0;
	s20 =	sshll.u32 s4, $0x1;
	s4 =	sadd.s32 s21, s2  }
0x9d: {  	[timem:s6], [sflag:s22] =	dma.local [hbm:s4], s20  }
0x9e: {  	_ =	swait.ge [sflag:s22], s20  }
0x9f: {  	s3 =	ssub.s32 $0x0, s20;
	[sflag:s22] =	ssyncset.done $0x0  }
0xa0: {  	[sflag:s22] =	ssyncadd.s32 s3;
	_ =	sdelay $0x1  }
0xa1: {  	s23 =	simm.s32 $0x1B8B  }
0xa2: {  	_ =	swait.ge [sflag:s23], $0x1  }
0xa3: {  	[sflag:s23] =	ssyncset.done $0x0  }
0xa4: {  	s25 =	simm.s32 $0x1B8E;
	s24 =	sld [smem:$0x3FFE];
	[sflag:s23] =	ssyncadd.s32 $0xFFFFFFFF  }
0xa5: {  	s26 =	simm.s32 $execute0_lowered;
	[smem:$0x3FD2] =	sst s25  }
0xa6: {  	s4 =	sshll.u32 s26, $0x1;
	_ =	strace $0x80000052;
	[dreg:$0x1] =	wrdreg $0xFFFFFFFF  }
0xa7: {  	s28 =	simm.s32 $_size_execute0_lowered;
	s2 =	sadd.s32 s2, s4;
	[dreg:$0x0] =	wrdreg $0x0  }
0xa8: {  	s4 =	sshll.u32 s28, $0x1;
	[dreg:$0x2] =	wrdreg s2  }
0xa9: {  	[dreg:$0x3] =	wrdreg s4  }
0xaa: {  	[dreg:$0x4] =	wrdreg $0xC0  }
0xab: {  	_ =	task [dreg:s6], $0x5FFFF  }
0xac: {  	[dreg:$0x1] =	wrdreg $0xFFFFFFFF  }
0xad: {  	[dreg:$0x0] =	wrdreg $0x60  }
0xae: {  	[dreg:$0x2] =	wrdreg s24  }
0xaf: {  	[dreg:$0x3] =	wrdreg $0x9  }
0xb0: {  	_ =	task.clear_ibuf [dreg:s6], $0x4FFFF;
	_ =	strace $0x90000052  }
0xb1: {  	s29 =	simm.s32 $0x9;
	_ =	strace $0x80000054  }
0xb2: {  	_ =	swait.ge [sflag:s29], $0x1  }
0xb3: {  	[sflag:s29] =	ssyncadd.s32 $0xFFFFFFFF  }
0xb4: {  	_ =	strace $0x90000054  }
0xb5: {  	_ =	sfence  }
0xb6: {  	s30 =	sld [smem:$0x0];
	_ =	sdelay $0x2  }
0xb7: {  	s31 =	sshll.u32 s1, $0xD;
	s1 =	sshrl.u32 s1, $0x2  }
0xb8: {  	s3 =	sand.u32 $0x4000, s31;
	s1 =	sadd.s32 s1, s30  }
0xb9: {  	s0 =	sor.u32 s3, s0;
	s1 =	sshll.u32 s1, $0x11  }
0xba: {  	s0 =	sor.u32 s1, s0  }
0xbb: {  	s0 =	sadd.s32 $0x8F2B, s0  }
0xbc: {  	[sflag:s0] =	ssyncadd.remote.s32 $0x1  }
0xbd: {  	_ =	sfence.sel $0xFFFF  }
0xbe: {  	[dreg:$0x0] =	wrdreg $0xFFFFFFFF;
	(pc) =	sbr.abs _section_cstart, $3  }
0xbf: {  	[dreg:$0x1] =	wrdreg $0xFFFFFFFF  }
0xc0: {  	_ =	task.clear_ibuf [dreg:s6], $0x2FFFF;
	_ =	strace $0x9FFFFFFF  }
0xc1: {  	(tm) =	ssettm $0x7FFFFFFF  }
tec
execute0_lowered:
.L_overlay_start_1:
0x0: {  	(tag) =	ssettag $0x1  }
0x1: {  	s0 =	srdreg.scid;
	s5 =	rddreg [dreg:$0x0]  }
0x2: {  	s1 =	stileid.u32;
	s6 =	simm.s32 $0x1;
	s9 =	simm.s32 $0x1  }
0x3: {  	s10 =	simm.s32 $0x3;
	s13 =	simm.s32 $0x0;
	s2 =	sshll.u32 s0, $0x6  }
0x4: {  	s12 =	simm.s32 $0x0;
	s3 =	sshll.u32 s1, $0x7;
	s2 =	sand.u32 $0x40, s2  }
0x5: {  	s0 =	rddreg [dreg:$0x1];
	_ =	strace $0x80000053;
	s2 =	sor.u32 s3, s2  }
0x6: {  	s4 =	sadd.s32 $0x41800, s5;
	[sflag:s6] =	ssyncpa.u1 $0x0;
	s8 =	ssub.s32 $0x1000, s2  }
.Ltmp0:
0x7: {  	s3 =	sadd.s32 $0x40C00, s5;
	s7 =	sand.u32 $0x7C0, s8;
	(pc) =	sbr.rel .LBB2_1-.Ltmp0, $4  }
0x8: {  	s5 =	sadd.s32 $0x40E00, s5;
	s11 =	smov.u32 s2;
	p0 =	sne.s32 s7, $0x0  }
0x9: {  	s8 =	sshrl.u32 s8, $0xB;
	s7 =	simm.s32 $0x2;
	s9 =	simm.s32 @!p0 $0x0  }
0xa: {  	[sflag:s7] =	ssyncpa.u1 $0x0;
	p0 =	por $0x0, $0x0;
	s8 =	sadd.s32 s9, s8  }
0xb: {  	vm0 =	vmmov $0xffff;
	[sflag:s10] =	ssyncpa.u1 $0x0;
	s10 =	simm.s32 $0x0;
	s9 =	sadd.s32 $0x1, s8  }
.LBB2_4:
0xc: {  	v2 =	vnsel vm1, $0x0, v2  }
0xd: {  	vm1 =	vgt.s32 v0, $0x0;
	v2 =	vmin.u32 v2, $0xFFF  }
0xe: {  	v0 =	vnsel vm1, $0x0, v0  }
0xf: {  	v0 =	vmin.u32 v0, $0xFFF  }
0x10: {  	[tilespmem:s15], [sflag:$0x1] =	stream.indirect_vreg.gather [hbm4b:s3+s10], $0x1, v1, vm0, $0x4038;
	[tilespmem:$0x100] =	vst v63  }
0x11: {  	(ifvalue) =	ssetifvalue $0x7FFFFFFF  }
0x12: {  	[tilespmem:s16], [sflag:$0x1] =	stream.indirect_vreg.gather [hbm4b:s3+s10], $0x1, v2, vm0, $0x4038;
	[tilespmem:$0x100] =	vst v63  }
0x13: {  	s29 =	sadd.s32 $0x10, s16;
	(ifvalue) =	ssetifvalue $0x7FFFFFFF  }
0x14: {  	[tilespmem:s29], [sflag:$0x1] =	stream.indirect_vreg.gather [hbm4b:s3+s10], $0x1, v0, vm0, $0x4038;
	[tilespmem:$0x100] =	vst v63  }
0x15: {  	_ =	swait.ge [sflag:s6], $0x40  }
0x16: {  	s30 =	sshrl.u32 s13, $0x3;
	[sflag:s6] =	ssyncset.done $0x0  }
0x17: {  	s31 =	sand.u32 $0x7, s13;
	s15 =	sadd.s32 s5, s30;
	[sflag:s6] =	ssyncadd.s32 $0xFFFFFFC0  }
0x18: {  	[hbm4b:s15+s31] =	stream.linear.scatter [tilespmem:s14], [sflag:$0x3], $0x40, $0x38;
	[tilespmem:$0x100] =	vst v63  }
.LBB2_5:
0x19: {  	s15 =	sadd.s32 $0x800, s11  }
0x1a: {  	p2 =	sgt.s32 s15, $0xFFF  }
0x1b: {  	s15 =	smov.u32 @p2 s2;
	p2 =	sne.s32 s12, s9  }
.Ltmp1:
0x1c: {  	p1 =	slt.u32 s12, $0x2;
	(pc) =	sbr.rel @!p2 .LBB2_6-.Ltmp1, $4  }
0x1d: {  	s14 =	simm.s32 @!p1 $0x3  }
0x1e: {  	s16 =	sadd.s32 $0x1, s12;
	_ =	swait.ge @!p1 [sflag:s14], $0x40  }
0x1f: {  	s13 =	smov.u32 s11;
	p0 =	por !p0, !p0;
	[sflag:s14] =	ssyncset.done @!p1 $0x0  }
0x20: {  	s12 =	smov.u32 s16;
	s11 =	smov.u32 s15;
	[sflag:s14] =	ssyncadd.s32 @!p1 $0xFFFFFFC0  }
.LBB2_1:
0x21: {  	p1 =	sge.u32 s12, s8  }
0x22: {  	s14 =	sxor.u32 @!p1 $0xFFFFFFFF, s12  }
0x23: {  	s31 =	sadd.s32 $0xFFFFFFFF, s12;
	s15 =	sshrl.u32 @!p1 s11, $0x3;
	s14 =	sshll.u32 @!p1 s14, $0x6  }
0x24: {  	s16 =	sand.u32 @!p1 $0x7, s11;
	s15 =	sadd.s32 @!p1 s4, s15;
	s14 =	sand.u32 @!p1 $0x40, s14  }
0x25: {  	[tilespmem:s14], [sflag:$0x2] =	stream.linear.gather @!p1 [hbm4b:s15+s16], $0x40, $0x38;
	[tilespmem:$0x100] =	vst v63  }
0x26: {  	p1 =	sge.u32 s31, s8  }
.Ltmp2:
0x27: {  	_ = 	snop;
	(pc) =	sbr.rel @p1 .LBB2_5-.Ltmp2, $1  }
0x28: {  	_ =	sdelay $0x3  }
0x29: {  	s14 =	simm.s32 $0x1  }
0x2a: {  	_ =	swait.ge [sflag:s7], $0x40;
	s14 =	simm.s32 @!p0 $0x0  }
0x2b: {  	[sflag:s7] =	ssyncset.done $0x0;
	s14 =	sshll.u32 s14, $0x6  }
0x2c: {  	[sflag:s7] =	ssyncadd.s32 $0xFFFFFFC0;
	(ifvalue) =	ssetifvalue $0x7FFFFFFF;
	v0 =	vld.msk [tilespmem:s14+$0x0 ss:$0x1], $0xffff;
	_ =	sdelay $0x4  }
0x2d: {  	s15 =	sadd.s32 $0x10, s14;
	vm1 =	vgt.s32 v0, $0x0  }
0x2e: {  	v2 =	vld.msk [tilespmem:s15+$0x0 ss:$0x1], $0xffff;
	v1 =	vnsel vm1, $0x0, v0  }
0x2f: {  	v1 =	vmin.u32 v1, $0xFFF;
	_ =	sdelay $0x1  }
0x30: {  	s16 =	sshll.u32 s12, $0x6;
	s18 =	simm.s32 $0x20  }
0x31: {  	s16 =	sand.u32 $0x40, s16;
	s17 =	sadd.s32 $0x10, s15;
	s15 =	sor.u32 $0x80, s14  }
0x32: {  	s14 =	sor.u32 $0x80, s16;
	s16 =	sadd.s32 $0x10, s15;
	v0 =	vld.msk [tilespmem:s17+$0x0 ss:$0x1], $0xffff;
	vm1 =	vgt.s32 v2, $0x0;
	(ifvalue) =	ssetifvalue $0x7FFFFFFF  }
.LBB2_3:
0x33: {  	[tilespmem:s15], [sflag:$0x1] =	stream.indirect_vreg.gather [hbm4b:s3+s10], $0x1, v1, vm0, $0x4038;
	[tilespmem:$0x100] =	vst v63  }
0x34: {  	s18 =	sadd.s32 $0x10, s18  }
0x35: {  	v2 =	vnsel vm1, $0x0, v2;
	p1 =	slt.u32 s18, $0x30  }
.Ltmp3:
0x36: {  	s15 =	smov.u32 s16;
	v1 =	vmin.u32 v2, $0xFFF;
	(pc) =	sbr.rel @p1 .LBB2_3-.Ltmp3, $3  }
0x37: {  	_ =	sdelay $0x1  }
0x38: {  	s17 =	sadd.s32 $0x10, s17  }
0x39: {  	vm1 =	vgt.s32 v0, $0x0;
	s16 =	sadd.s32 $0x10, s16;
	v2 =	vmov v0;
	(ifvalue) =	ssetifvalue $0x7FFFFFFF;
	v0 =	vld.msk [tilespmem:s17+$0x0 ss:$0x1], $0xffff  }
.Ltmp4:
0x3a: {  	_ = 	snop;
	(pc) =	sbr.rel .LBB2_4-.Ltmp4, $1  }
0x3b: {  	_ =	sdelay $0x3  }
.LBB2_6:
0x3c: {  	_ =	sfence.sel $0x180000  }
0x3d: {  	s2 =	simm.s32 $0x2;
	[bflag:$0x0] =	sbarrier.arrive $0xFFFF  }
0x3e: {  	s30 =	simm.s32 $0x3;
	[sflag:s2] =	ssyncpa.u1 $0x1  }
0x3f: {  	s31 =	simm.s32 $0x1;
	[sflag:s30] =	ssyncpa.u1 $0x1  }
0x40: {  	[sflag:s31] =	ssyncpa.u1 $0x1  }
0x41: {  	p0 =	sne.s32 s1, $0x0;
	_ =	strace $0x90000053  }
0x42: {  	s0 =	sadd.s32 @!p0 $0x100000, s0;
	[bflag:$0x2] =	sbarrier.arrive $0xFFFF  }
0x43: {  	[sflag:s0] =	ssyncadd.tile.s32 @!p0 $0x1;
	_ =	shalt  }
.Lfunc_end2:
_tile_overlayer_lowered:
.L_overlay_start_2:
0x44: {  	(tag) =	ssettag $0x2  }
0x45: {  	s0 =	rddreg [dreg:$0x0];
	s2 =	stileid.u32  }
0x46: {  	s1 =	rddreg [dreg:$0x1];
	p0 =	sne.s32 s2, $0x0  }
0x47: {  	s3 =	rddreg [dreg:$0x2];
	[bflag:$0x3] =	sbarrier.arrive $0xFFFF;
	s2 =	simm.s32 @!p0 $0x1C01  }
0x48: {  	[timem:s3], [sflag:s2] =	dma.local @!p0 [hbm:s0], s1  }
0x49: {  	s0 =	simm.s32 @!p0 $0x1  }
0x4a: {  	_ =	swait.ge @!p0 [sflag:s0], s1  }
0x4b: {  	s1 =	ssub.s32 @!p0 $0x0, s1;
	[sflag:s0] =	ssyncset.done @!p0 $0x0  }
0x4c: {  	[sflag:s0] =	ssyncadd.s32 @!p0 s1  }
0x4d: {  	[bflag:$0x3] =	sbarrier.arrive $0xFFFF  }
0x4e: {  	_ =	shalt  }

// kernel: gather_offload_async_start.4
scs
__scs_entry_jumppad:
0x0: {  	(pc) =	sbr.rel $0x88, $3  }
0x1: {  	(tag) =	ssettag $0x0;
	lr =	simm.s32 $0x1  }
0x2: {  	[smem:$0x3F93] =	sst lr;
	_ =	strace $0xD0000000  }
0x3: {  	_ = 	snop  }
0x4: {  	_ = 	snop  }
0x5: {  	_ = 	snop  }
0x6: {  	_ = 	snop  }
0x7: {  	_ = 	snop  }
__scs_overlays_trampoline_lowered:
0x8: {  	[smem:$0x3FA2] =	sst s0  }
0x9: {  	[smem:$0x3FA3] =	sst s1  }
0xa: {  	[smem:$0x3FA4] =	sst s2  }
0xb: {  	[smem:$0x3FA5] =	sst s3  }
0xc: {  	[smem:$0x3FA6] =	sst s4  }
0xd: {  	[smem:$0x3FA7] =	sst s5  }
0xe: {  	[smem:$0x3FA8] =	sst s6  }
0xf: {  	[smem:$0x3FA9] =	sst s7  }
0x10: {  	[smem:$0x3FAA] =	sst s8  }
0x11: {  	[smem:$0x3FAB] =	sst s9;
	s0 =	simm.s32 @!p0 $0x0  }
0x12: {  	s1 =	sld [smem:$0x3F91];
	s0 =	simm.s32 @p0 $0x1  }
0x13: {  	[smem:$0x3FAC] =	sst s0;
	s0 =	simm.s32 @!p1 $0x0  }
0x14: {  	s2 =	sld [smem:$0x3F90];
	s0 =	simm.s32 @p1 $0x1  }
0x15: {  	[smem:$0x3FAD] =	sst s0;
	s0 =	simm.s32 @!p2 $0x0  }
0x16: {  	s3 =	sld [smem:$0x3FDB];
	s0 =	simm.s32 @p2 $0x1  }
0x17: {  	s4 =	simm.s32 $0x1BF5;
	[smem:$0x3FAF] =	sst s0  }
0x18: {  	s0 =	sld [smem:$0x3F92];
	_ =	swait.ge [sflag:s4], $0x0  }
0x19: {  	s7 =	sld [smem:$0x3F93]  }
0x1a: {  	s8 =	sadd.s32 $0xFFFFE003, lr  }
0x1b: {  	s9 =	sadd.s32 $0xFFFFFEF7, lr;
	s5 =	simm.s32 $0xFFFFFFFF;
	p2 =	slt.u32 s8, $0xFFFFF086  }
0x1c: {  	p1 =	slt.u32 s9, $0xF7A;
	s5 =	simm.s32 @!p2 $0x0  }
0x1d: {  	s5 =	simm.s32 @p1 $0x1;
	p0 =	seq.s32 s7, s2  }
0x1e: {  	s7 =	smul.u32 @!p0 $0xF7A, s2;
	p2 =	seq.s32 @!p0 s5, $0x0  }
0x1f: {  	s9 =	smul.u32 $0xF7A, s1;
	s8 =	simm.s32 @!p0 $0x1BF5;
	p2 =	por !p2, p0  }
0x20: {  	[sflag:s8] =	ssyncset.s32 @!p0 $0xFFFFF086;
	s6 =	sadd.s32 @!p0 s3, s7;
	s7 =	simm.s32 @!p0 $0x108  }
0x21: {  	s3 =	sadd.s32 s3, s9;
	s6 =	sadd.s32 @!p0 $0x88, s6;
	s7 =	simm.s32 @p2 $0x1082  }
0x22: {  	[simem:s7], [sflag:s8] =	dma.local @!p0 [hbm:s6], $0xF7A  }
0x23: {  	s9 =	sor.u32 $0xD0000000, s2;
	s6 =	simm.s32 $0x108;
	_ =	swait.ge @!p0 [sflag:s8], $0x0  }
0x24: {  	s3 =	sadd.s32 $0x88, s3;
	s6 =	simm.s32 @!p1 $0x1082;
	[sflag:s4] =	ssyncset.s32 $0xFFFFF086  }
0x25: {  	[simem:s6], [sflag:s4] =	dma.local [hbm:s3], $0xF7A  }
0x26: {  	[smem:$0x3F93] =	sst s1;
	(tag) =	ssettag s2;
	_ =	strace s9  }
0x27: {  	s1 =	sld [smem:$0x3FA3]  }
0x28: {  	s2 =	sld [smem:$0x3FA4]  }
0x29: {  	s4 =	sld [smem:$0x3FA6]  }
0x2a: {  	p0 =	seq.s32 s5, $0x0;
	s5 =	sld [smem:$0x3FA7]  }
0x2b: {  	s6 =	sld [smem:$0x3FA8]  }
0x2c: {  	s7 =	sld [smem:$0x3FA9]  }
0x2d: {  	s3 =	simm.s32 $0x108;
	s8 =	sld [smem:$0x3FAA]  }
0x2e: {  	s3 =	simm.s32 @!p0 $0x1082;
	s9 =	sld [smem:$0x3FAB]  }
0x2f: {  	lr =	sadd.s32 s0, s3;
	s0 =	sld [smem:$0x3FA2]  }
0x30: {  	s3 =	sld [smem:$0x3FA5]  }
0x31: {  	[smem:$0x3FAE] =	sst s10  }
0x32: {  	s10 =	sld [smem:$0x3FAC];
	_ =	sdelay $0x3  }
0x33: {  	p0 =	seq.s32 s10, $0x1;
	s10 =	sld [smem:$0x3FAE];
	_ =	sdelay $0x3  }
0x34: {  	[smem:$0x3FAE] =	sst s10  }
0x35: {  	s10 =	sld [smem:$0x3FAD];
	_ =	sdelay $0x3  }
0x36: {  	p1 =	seq.s32 s10, $0x1;
	s10 =	sld [smem:$0x3FAE];
	_ =	sdelay $0x3  }
0x37: {  	[smem:$0x3FAE] =	sst s10  }
0x38: {  	s10 =	sld [smem:$0x3FAF]  }
0x39: {  	_ = 	snop;
	(pc) =	sbr.ind lr, $3  }
0x3a: {  	_ = 	snop  }
0x3b: {  	_ = 	snop  }
0x3c: {  	p2 =	seq.s32 s10, $0x1;
	s10 =	sld [smem:$0x3FAE]  }
0x3d: {  	_ =	shalt  }
0x3e: {  	_ =	shalt  }
0x3f: {  	_ =	shalt  }
0x40: {  	_ =	shalt  }
0x41: {  	_ =	shalt  }
0x42: {  	_ =	shalt  }
0x43: {  	_ =	shalt  }
0x44: {  	_ =	shalt  }
0x45: {  	_ =	shalt  }
0x46: {  	_ =	shalt  }
0x47: {  	_ =	shalt  }
0x48: {  	_ =	shalt  }
0x49: {  	_ =	shalt  }
0x4a: {  	_ =	shalt  }
0x4b: {  	_ =	shalt  }
0x4c: {  	_ =	shalt  }
0x4d: {  	_ =	shalt  }
0x4e: {  	_ =	shalt  }
0x4f: {  	_ =	shalt  }
0x50: {  	_ =	shalt  }
0x51: {  	_ =	shalt  }
0x52: {  	_ =	shalt  }
0x53: {  	_ =	shalt  }
0x54: {  	_ =	shalt  }
0x55: {  	_ =	shalt  }
0x56: {  	_ =	shalt  }
0x57: {  	_ =	shalt  }
0x58: {  	_ =	shalt  }
0x59: {  	_ =	shalt  }
0x5a: {  	_ =	shalt  }
0x5b: {  	_ =	shalt  }
0x5c: {  	_ =	shalt  }
0x5d: {  	_ =	shalt  }
0x5e: {  	_ =	shalt  }
0x5f: {  	_ =	shalt  }
0x60: {  	_ =	shalt  }
0x61: {  	_ =	shalt  }
0x62: {  	_ =	shalt  }
0x63: {  	_ =	shalt  }
0x64: {  	_ =	shalt  }
0x65: {  	_ =	shalt  }
0x66: {  	_ =	shalt  }
0x67: {  	_ =	shalt  }
0x68: {  	_ =	shalt  }
0x69: {  	_ =	shalt  }
0x6a: {  	_ =	shalt  }
0x6b: {  	_ =	shalt  }
0x6c: {  	_ =	shalt  }
0x6d: {  	_ =	shalt  }
0x6e: {  	_ =	shalt  }
0x6f: {  	_ =	shalt  }
0x70: {  	_ =	shalt  }
0x71: {  	_ =	shalt  }
0x72: {  	_ =	shalt  }
0x73: {  	_ =	shalt  }
0x74: {  	_ =	shalt  }
0x75: {  	_ =	shalt  }
0x76: {  	_ =	shalt  }
0x77: {  	_ =	shalt  }
0x78: {  	_ =	shalt  }
0x79: {  	_ =	shalt  }
0x7a: {  	_ =	shalt  }
0x7b: {  	_ =	shalt  }
0x7c: {  	_ =	shalt  }
0x7d: {  	_ =	shalt  }
0x7e: {  	_ =	shalt  }
0x7f: {  	_ =	shalt  }
0x80: {  	_ =	shalt  }
0x81: {  	_ =	shalt  }
0x82: {  	_ =	shalt  }
0x83: {  	_ =	shalt  }
0x84: {  	_ =	shalt  }
0x85: {  	_ =	shalt  }
0x86: {  	_ =	shalt  }
0x87: {  	_ =	shalt  }
.Lfunc_end0:
.L_simem_size_0:
called_computation.5_lowered:
.L_overlay_start_0:
0x88: {  	s2 =	sld [smem:$0x3FD9]  }
0x89: {  	s3 =	sld [smem:$0x3FFE];
	_ =	sdelay $0x1  }
0x8a: {  	s1 =	srdreg.scid  }
0x8b: {  	s0 =	sand.u32 $0x1, s1  }
0x8c: {  	s17 =	sshll.u32 s0, $0xA;
	s2 =	sadd.s32 s3, s2  }
0x8d: {  	s2 =	sadd.s32 s2, s17  }
0x8e: {  	[smem:$0x3FBA] =	sst s2  }
0x8f: {  	_ = 	snop  }
0x90: {  	(tm) =	ssettm $0x1  }
0x91: {  	s18 =	sld [smem:$0x3FFB];
	_ =	sdelay $0x3  }
0x92: {  	_ =	strace s18  }
0x93: {  	s2 =	sld [smem:$0x3FFC];
	_ =	sdelay $0x3  }
0x94: {  	_ =	strace s2  }
0x95: {  	s2 =	sld [smem:$0x3FFD];
	_ =	sdelay $0x3  }
0x96: {  	_ =	strace s2  }
0x97: {  	_ =	strace $0x8FFFFFFF  }
0x98: {  	s19 =	sld [smem:$0x3FDB];
	_ =	sdelay $0x1  }
0x99: {  	s20 =	simm.s32 $_scs_section_size  }
0x9a: {  	s4 =	simm.s32 $_size__tile_overlayer_lowered;
	s5 =	simm.s32 $_tile_overlayer_lowered  }
0x9b: {  	s6 =	simm.s32 $0x1BFF;
	s21 =	sshll.u32 s5, $0x1;
	s3 =	sadd.s32 s20, s19  }
0x9c: {  	s22 =	simm.s32 $0x0;
	s4 =	sshll.u32 s4, $0x1;
	s5 =	sadd.s32 s21, s3  }
0x9d: {  	[timem:s22], [sflag:s6] =	dma.local [hbm:s5], s4  }
0x9e: {  	_ =	swait.ge [sflag:s6], s4  }
0x9f: {  	s4 =	ssub.s32 $0x0, s4;
	[sflag:s6] =	ssyncset.done $0x0  }
0xa0: {  	[sflag:s6] =	ssyncadd.s32 s4;
	_ =	sdelay $0x1  }
0xa1: {  	s23 =	simm.s32 $0x1B8B  }
0xa2: {  	_ =	swait.ge [sflag:s23], $0x1  }
0xa3: {  	[sflag:s23] =	ssyncset.done $0x0  }
0xa4: {  	[sflag:s23] =	ssyncadd.s32 $0xFFFFFFFF  }
0xa5: {  	s4 =	sld [smem:$0x0]  }
0xa6: {  	s5 =	sand.u32 $0xFFFFFFFE, s1  }
0xa7: {  	p0 =	sne.s32 s1, s5  }
0xa8: {  	s5 =	sshll.u32 @p0 s5, $0xE  }
0xa9: {  	s5 =	sadd.s32 @p0 $0x11B8D, s5;
	s6 =	sshll.u32 @p0 s4, $0x11  }
0xaa: {  	s5 =	sor.u32 @p0 s6, s5  }
0xab: {  	[sflag:s5] =	ssyncadd.remote.s32 @p0 $0x1;
	_ =	sdelay $0x1  }
0xac: {  	s5 =	simm.s32 @p0 $0x1B8D  }
0xad: {  	_ =	swait.eq @p0 [sflag:s5], $0x1  }
0xae: {  	[sflag:s5] =	ssyncadd.s32 @p0 $0xFFFFFFFF  }
0xaf: {  	s6 =	sshll.u32 @!p0 s1, $0xE  }
0xb0: {  	s6 =	sor.u32 @!p0 $0x4000, s6;
	s5 =	simm.s32 @!p0 $0x1B8D  }
0xb1: {  	s4 =	sshll.u32 @!p0 s4, $0x11;
	s6 =	sadd.s32 @!p0 $0x11B8D, s6;
	_ =	swait.eq @!p0 [sflag:s5], $0x1  }
0xb2: {  	s4 =	sor.u32 @!p0 s4, s6;
	[sflag:s5] =	ssyncadd.s32 @!p0 $0xFFFFFFFF  }
0xb3: {  	s25 =	simm.s32 $0x1B8E;
	s24 =	sld [smem:$0x3FFE];
	[sflag:s4] =	ssyncadd.remote.s32 @!p0 $0x1  }
0xb4: {  	s26 =	simm.s32 $execute0_lowered;
	[smem:$0x3FD2] =	sst s25  }
0xb5: {  	s5 =	sshll.u32 s26, $0x1;
	_ =	strace $0x80000058;
	[dreg:$0x1] =	wrdreg $0xFFFFFFFF  }
0xb6: {  	s28 =	simm.s32 $_size_execute0_lowered;
	s3 =	sadd.s32 s3, s5;
	[dreg:$0x0] =	wrdreg $0x0  }
0xb7: {  	s5 =	sshll.u32 s28, $0x1;
	[dreg:$0x2] =	wrdreg s3  }
0xb8: {  	[dreg:$0x3] =	wrdreg s5  }
0xb9: {  	[dreg:$0x4] =	wrdreg $0xC0  }
0xba: {  	_ =	task [dreg:s22], $0x5FFFF  }
0xbb: {  	[dreg:$0x1] =	wrdreg $0xFFFFFFFF  }
0xbc: {  	[dreg:$0x0] =	wrdreg $0x60  }
0xbd: {  	[dreg:$0x2] =	wrdreg s24  }
0xbe: {  	[dreg:$0x3] =	wrdreg $0x9  }
0xbf: {  	_ =	task.clear_ibuf [dreg:s22], $0x4FFFF;
	_ =	strace $0x90000058  }
0xc0: {  	s29 =	simm.s32 $0x9;
	_ =	strace $0x8000005A  }
0xc1: {  	_ =	swait.ge [sflag:s29], $0x1  }
0xc2: {  	[sflag:s29] =	ssyncadd.s32 $0xFFFFFFFF  }
0xc3: {  	_ =	strace $0x9000005A  }
0xc4: {  	_ =	sfence  }
0xc5: {  	s30 =	sld [smem:$0x0];
	_ =	sdelay $0x2  }
0xc6: {  	s31 =	sshll.u32 s1, $0xD;
	s1 =	sshrl.u32 s1, $0x2  }
0xc7: {  	s4 =	sand.u32 $0x4000, s31;
	s1 =	sadd.s32 s1, s30  }
0xc8: {  	s0 =	sor.u32 s4, s0;
	s1 =	sshll.u32 s1, $0x11  }
0xc9: {  	s0 =	sor.u32 s1, s0  }
0xca: {  	s0 =	sadd.s32 $0x8F2B, s0  }
0xcb: {  	[sflag:s0] =	ssyncadd.remote.s32 $0x1  }
0xcc: {  	_ =	sfence.sel $0xFFFF  }
0xcd: {  	[dreg:$0x0] =	wrdreg $0xFFFFFFFF;
	(pc) =	sbr.abs _section_cstart, $3  }
0xce: {  	[dreg:$0x1] =	wrdreg $0xFFFFFFFF  }
0xcf: {  	_ =	task.clear_ibuf [dreg:s22], $0x2FFFF;
	_ =	strace $0x9FFFFFFF  }
0xd0: {  	(tm) =	ssettm $0x7FFFFFFF  }
0xd1: {  	_ =	shalt  }
tec
execute0_lowered:
.L_overlay_start_1:
0x0: {  	(tag) =	ssettag $0x1  }
0x1: {  	s7 =	rddreg [dreg:$0x0]  }
0x2: {  	s0 =	rddreg [dreg:$0x1];
	_ =	strace $0x80000059  }
0x3: {  	s1 =	srdreg.scid;
	s4 =	simm.s32 $0x1;
	s9 =	simm.s32 $0x3  }
0x4: {  	s11 =	simm.s32 $0x0;
	p0 =	por $0x0, $0x0;
	s5 =	sshll.u32 s1, $0x4  }
.Ltmp0:
0x5: {  	s1 =	stileid.u32;
	s5 =	sand.u32 $0x10, s5;
	(pc) =	sbr.rel .LBB2_1-.Ltmp0, $4  }
0x6: {  	s2 =	sadd.s32 $0x41000, s7;
	s3 =	sadd.s32 $0x141000, s7;
	s6 =	sor.u32 s1, s5  }
0x7: {  	[sflag:s4] =	ssyncpa.u1 $0x0;
	s5 =	simm.s32 $0x2;
	s6 =	sshll.u32 s6, $0x6  }
0x8: {  	s7 =	sadd.s32 $0x141200, s7;
	[sflag:s5] =	ssyncpa.u1 $0x0;
	s8 =	sadd.s32 $0x40, s6  }
0x9: {  	vm0 =	vmmov $0xff;
	vm1 =	vcmask $0x3F20;
	[sflag:s9] =	ssyncpa.u1 $0x0;
	s10 =	smov.u32 s6;
	s9 =	simm.s32 $0x0  }
.LBB2_9:
0xa: {  	p1 =	slt.u32 s9, $0x2;
	s11 =	sadd.s32 $0x20, s10  }
0xb: {  	s13 =	smov.u32 s6;
	s9 =	sadd.s32 $0x1, s9;
	p2 =	slt.s32 s11, s8  }
0xc: {  	s13 =	smov.u32 @p2 s11;
	p2 =	sne.s32 s9, $0x4  }
.Ltmp1:
0xd: {  	_ = 	snop;
	(pc) =	sbr.rel @!p2 .LBB2_10-.Ltmp1, $4  }
0xe: {  	s12 =	simm.s32 @!p1 $0x3  }
0xf: {  	_ =	swait.ge @!p1 [sflag:s12], $0x8000  }
0x10: {  	p0 =	por !p0, !p0;
	[sflag:s12] =	ssyncset.done @!p1 $0x0  }
0x11: {  	s11 =	smov.u32 s10;
	s10 =	smov.u32 s13;
	[sflag:s12] =	ssyncadd.s32 @!p1 $0xFFFF8000  }
.LBB2_1:
0x12: {  	p1 =	sgt.u32 s9, $0x1  }
0x13: {  	s12 =	sshll.u32 @!p1 s9, $0x5;
	s13 =	sshrl.u32 @!p1 s10, $0x3  }
0x14: {  	s14 =	sand.u32 @!p1 $0x7, s10;
	s12 =	sxor.u32 @!p1 $0x20, s12;
	s13 =	sadd.s32 @!p1 s3, s13  }
0x15: {  	[tilespmem:s12], [sflag:$0x2] =	stream.linear.gather @!p1 [hbm4b:s13+s14], $0x20, $0x38;
	[tilespmem:$0x10040] =	vst v63  }
0x16: {  	p1 =	seq.s32 s9, $0x0  }
0x17: {  	p2 =	seq.s32 @!p1 s9, $0x3  }
0x18: {  	p1 =	por p1, p2  }
.Ltmp2:
0x19: {  	_ = 	snop;
	(pc) =	sbr.rel @p1 .LBB2_9-.Ltmp2, $1  }
0x1a: {  	_ =	sdelay $0x3  }
0x1b: {  	s12 =	simm.s32 $0x1  }
0x1c: {  	_ =	swait.ge [sflag:s5], $0x20;
	s13 =	sand.u32 $0x1, s9;
	s12 =	simm.s32 @!p0 $0x0  }
0x1d: {  	s15 =	simm.s32 $0x0;
	p2 =	por $0x1, $0x1;
	s12 =	sshll.u32 s12, $0x11  }
0x1e: {  	[sflag:s5] =	ssyncset.done $0x0;
	s13 =	sshll.u32 s13, $0x5;
	s14 =	sshrl.u32 s12, $0x2  }
0x1f: {  	[sflag:s5] =	ssyncadd.s32 $0xFFFFFFE0;
	s12 =	sor.u32 $0x40, s14;
	s14 =	sadd.s32 $0x40, s14  }
.LBB2_3:
0x20: {  	s16 =	sshll.u32 s15, $0x4  }
0x21: {  	s16 =	sand.u32 $0x3FFFFFF0, s16  }
0x22: {  	s16 =	sadd.s32 s16, s13  }
0x23: {  	v0 =	vld.msk [tilespmem:s16+$0x0 ss:$0x1], $0xffff;
	_ =	sdelay $0x4  }
0x24: {  	vm2 =	vgt.s32 v0, $0x0  }
0x25: {  	v0 =	vnsel vm2, $0x0, v0  }
0x26: {  	v0 =	vmin.u32 v0, $0x17FF  }
0x27: {  	v1 =	vshll.u32 v0, $0x7;
	v0 =	vshll.u32 v0, $0x4  }
0x28: {  	v1 =	vand.u32 $0xFFC00, v1;
	v0 =	vand.u32 $0x70, v0  }
0x29: {  	v0 =	vor.u32 v0, v1  }
0x2a: {  	s31 =	sshll.u32 s15, $0x10  }
0x2b: {  	s15 =	sshra.s32 s31, $0x2  }
0x2c: {  	s15 =	sadd.s32 s15, s14  }
0x2d: {  	s17 =	sadd.s32 $0x0, s15  }
0x2e: {  	[tilespmem:s17], [sflag:$0x1] =	stream.indirect_vreg.gather [hbm:s2], $0x80, v0, vm0, $0x38;
	[tilespmem:$0x10040] =	vst v63  }
0x2f: {  	p1 =	por p2, p2;
	s16 =	simm.s32 $0x1000;
	v1 =	vadd.s32 $0x80, v0;
	s17 =	sadd.s32 $0x2000, s17  }
.LBB2_4:
0x30: {  	[tilespmem:s17], [sflag:$0x1] =	stream.indirect_vreg.gather [hbm:s2], $0x80, v0, vm1, $0x38;
	[tilespmem:$0x10040] =	vst v63  }
0x31: {  	v0 =	vmov v1;
	s17 =	smov.u32 s16;
	p2 =	sne.s32 s16, $0x7000  }
.Ltmp3:
0x32: {  	s16 =	sadd.s32 $0x1000, s16;
	(pc) =	sbr.rel @p2 .LBB2_4-.Ltmp3, $4  }
0x33: {  	s17 =	sshra.s32 s17, $0x2  }
0x34: {  	s17 =	sadd.s32 s17, s15  }
0x35: {  	[tilespmem:s17], [sflag:$0x1] =	stream.indirect_vreg.gather [hbm:s2], $0x80, v1, vm0, $0x38;
	[tilespmem:$0x10040] =	vst v63  }
0x36: {  	s17 =	sadd.s32 $0x2000, s17;
	v1 =	vadd.s32 $0x80, v1  }
0x37: {  	_ = 	snop  }
.Ltmp4:
0x38: {  	_ = 	snop;
	(pc) =	sbr.rel @p1 .LBB2_3-.Ltmp4, $3  }
0x39: {  	_ =	sdelay $0x1  }
0x3a: {  	[tilespmem:s17], [sflag:$0x1] =	stream.indirect_vreg.gather [hbm:s2], $0x80, v0, vm1, $0x38;
	[tilespmem:$0x10040] =	vst v63  }
0x3b: {  	s15 =	simm.s32 $0x1;
	p2 =	por $0x0, $0x0  }
0x3c: {  	s13 =	sshll.u32 s11, $0x7  }
0x3d: {  	s31 =	sshll.u32 s11, $0x4;
	s13 =	sand.u32 $0xFFFFFC00, s13  }
0x3e: {  	_ =	swait.ge [sflag:s4], $0x8000;
	s11 =	sand.u32 $0x70, s31;
	s13 =	sadd.s32 s13, s7  }
0x3f: {  	s14 =	sadd.s32 $0x2000, s12;
	[sflag:s4] =	ssyncset.done $0x0;
	s11 =	sadd.s32 s11, s13  }
0x40: {  	[sflag:s4] =	ssyncadd.s32 $0xFFFF8000;
	s13 =	simm.s32 $0x400;
	s15 =	sadd.s32 $0x0, s11  }
.LBB2_7:
0x41: {  	[hbm:s15] =	stream.linear.scatter [tilespmem:s12], [sflag:$0x3], $0x2000, $0x38;
	[tilespmem:$0x10040] =	vst v63  }
0x42: {  	s15 =	smov.u32 s13;
	s12 =	smov.u32 s14;
	p1 =	sne.s32 s13, $0xC00  }
.Ltmp5:
0x43: {  	s13 =	sadd.s32 $0x400, s13;
	(pc) =	sbr.rel @p1 .LBB2_7-.Ltmp5, $2  }
0x44: {  	_ =	sdelay $0x2  }
0x45: {  	s14 =	sadd.s32 $0x2000, s14;
	s15 =	sadd.s32 s15, s11  }
.Ltmp6:
0x46: {  	(pc) =	sbr.rel .LBB2_9-.Ltmp6, $2  }
0x47: {  	_ =	sdelay $0x2  }
0x48: {  	[hbm:s15] =	stream.linear.scatter [tilespmem:s12], [sflag:$0x3], $0x2000, $0x38;
	[tilespmem:$0x10040] =	vst v63  }
.LBB2_10:
0x49: {  	_ =	sfence.sel $0x180000  }
0x4a: {  	s2 =	simm.s32 $0x2;
	[bflag:$0x0] =	sbarrier.arrive $0xFFFF  }
0x4b: {  	s30 =	simm.s32 $0x3;
	[sflag:s2] =	ssyncpa.u1 $0x1  }
0x4c: {  	s31 =	simm.s32 $0x1;
	[sflag:s30] =	ssyncpa.u1 $0x1  }
0x4d: {  	[sflag:s31] =	ssyncpa.u1 $0x1  }
0x4e: {  	p0 =	sne.s32 s1, $0x0;
	_ =	strace $0x90000059  }
0x4f: {  	s0 =	sadd.s32 @!p0 $0x100000, s0;
	[bflag:$0x2] =	sbarrier.arrive $0xFFFF  }
0x50: {  	[sflag:s0] =	ssyncadd.tile.s32 @!p0 $0x1;
	_ =	shalt  }
.Lfunc_end2:
_tile_overlayer_lowered:
.L_overlay_start_2:
0x51: {  	(tag) =	ssettag $0x2  }
0x52: {  	s0 =	rddreg [dreg:$0x0];
	s2 =	stileid.u32  }
0x53: {  	s1 =	rddreg [dreg:$0x1];
	p0 =	sne.s32 s2, $0x0  }
0x54: {  	s3 =	rddreg [dreg:$0x2];
	[bflag:$0x3] =	sbarrier.arrive $0xFFFF;
	s2 =	simm.s32 @!p0 $0x1C01  }
0x55: {  	[timem:s3], [sflag:s2] =	dma.local @!p0 [hbm:s0], s1  }
0x56: {  	s0 =	simm.s32 @!p0 $0x1  }
0x57: {  	_ =	swait.ge @!p0 [sflag:s0], s1  }
0x58: {  	s1 =	ssub.s32 @!p0 $0x0, s1;
	[sflag:s0] =	ssyncset.done @!p0 $0x0  }
0x59: {  	[sflag:s0] =	ssyncadd.s32 @!p0 s1  }
0x5a: {  	[bflag:$0x3] =	sbarrier.arrive $0xFFFF  }
0x5b: {  	_ =	shalt  }

// kernel: gather_offload_async_start.5
scs
__scs_entry_jumppad:
0x0: {  	(pc) =	sbr.rel $0x88, $3  }
0x1: {  	(tag) =	ssettag $0x0;
	lr =	simm.s32 $0x1  }
0x2: {  	[smem:$0x3F93] =	sst lr;
	_ =	strace $0xD0000000  }
0x3: {  	_ = 	snop  }
0x4: {  	_ = 	snop  }
0x5: {  	_ = 	snop  }
0x6: {  	_ = 	snop  }
0x7: {  	_ = 	snop  }
__scs_overlays_trampoline_lowered:
0x8: {  	[smem:$0x3FA2] =	sst s0  }
0x9: {  	[smem:$0x3FA3] =	sst s1  }
0xa: {  	[smem:$0x3FA4] =	sst s2  }
0xb: {  	[smem:$0x3FA5] =	sst s3  }
0xc: {  	[smem:$0x3FA6] =	sst s4  }
0xd: {  	[smem:$0x3FA7] =	sst s5  }
0xe: {  	[smem:$0x3FA8] =	sst s6  }
0xf: {  	[smem:$0x3FA9] =	sst s7  }
0x10: {  	[smem:$0x3FAA] =	sst s8  }
0x11: {  	[smem:$0x3FAB] =	sst s9;
	s0 =	simm.s32 @!p0 $0x0  }
0x12: {  	s1 =	sld [smem:$0x3F91];
	s0 =	simm.s32 @p0 $0x1  }
0x13: {  	[smem:$0x3FAC] =	sst s0;
	s0 =	simm.s32 @!p1 $0x0  }
0x14: {  	s2 =	sld [smem:$0x3F90];
	s0 =	simm.s32 @p1 $0x1  }
0x15: {  	[smem:$0x3FAD] =	sst s0;
	s0 =	simm.s32 @!p2 $0x0  }
0x16: {  	s3 =	sld [smem:$0x3FDB];
	s0 =	simm.s32 @p2 $0x1  }
0x17: {  	s4 =	simm.s32 $0x1BF5;
	[smem:$0x3FAF] =	sst s0  }
0x18: {  	s0 =	sld [smem:$0x3F92];
	_ =	swait.ge [sflag:s4], $0x0  }
0x19: {  	s7 =	sld [smem:$0x3F93]  }
0x1a: {  	s8 =	sadd.s32 $0xFFFFE003, lr  }
0x1b: {  	s9 =	sadd.s32 $0xFFFFFEF7, lr;
	s5 =	simm.s32 $0xFFFFFFFF;
	p2 =	slt.u32 s8, $0xFFFFF086  }
0x1c: {  	p1 =	slt.u32 s9, $0xF7A;
	s5 =	simm.s32 @!p2 $0x0  }
0x1d: {  	s5 =	simm.s32 @p1 $0x1;
	p0 =	seq.s32 s7, s2  }
0x1e: {  	s7 =	smul.u32 @!p0 $0xF7A, s2;
	p2 =	seq.s32 @!p0 s5, $0x0  }
0x1f: {  	s9 =	smul.u32 $0xF7A, s1;
	s8 =	simm.s32 @!p0 $0x1BF5;
	p2 =	por !p2, p0  }
0x20: {  	[sflag:s8] =	ssyncset.s32 @!p0 $0xFFFFF086;
	s6 =	sadd.s32 @!p0 s3, s7;
	s7 =	simm.s32 @!p0 $0x108  }
0x21: {  	s3 =	sadd.s32 s3, s9;
	s6 =	sadd.s32 @!p0 $0x88, s6;
	s7 =	simm.s32 @p2 $0x1082  }
0x22: {  	[simem:s7], [sflag:s8] =	dma.local @!p0 [hbm:s6], $0xF7A  }
0x23: {  	s9 =	sor.u32 $0xD0000000, s2;
	s6 =	simm.s32 $0x108;
	_ =	swait.ge @!p0 [sflag:s8], $0x0  }
0x24: {  	s3 =	sadd.s32 $0x88, s3;
	s6 =	simm.s32 @!p1 $0x1082;
	[sflag:s4] =	ssyncset.s32 $0xFFFFF086  }
0x25: {  	[simem:s6], [sflag:s4] =	dma.local [hbm:s3], $0xF7A  }
0x26: {  	[smem:$0x3F93] =	sst s1;
	(tag) =	ssettag s2;
	_ =	strace s9  }
0x27: {  	s1 =	sld [smem:$0x3FA3]  }
0x28: {  	s2 =	sld [smem:$0x3FA4]  }
0x29: {  	s4 =	sld [smem:$0x3FA6]  }
0x2a: {  	p0 =	seq.s32 s5, $0x0;
	s5 =	sld [smem:$0x3FA7]  }
0x2b: {  	s6 =	sld [smem:$0x3FA8]  }
0x2c: {  	s7 =	sld [smem:$0x3FA9]  }
0x2d: {  	s3 =	simm.s32 $0x108;
	s8 =	sld [smem:$0x3FAA]  }
0x2e: {  	s3 =	simm.s32 @!p0 $0x1082;
	s9 =	sld [smem:$0x3FAB]  }
0x2f: {  	lr =	sadd.s32 s0, s3;
	s0 =	sld [smem:$0x3FA2]  }
0x30: {  	s3 =	sld [smem:$0x3FA5]  }
0x31: {  	[smem:$0x3FAE] =	sst s10  }
0x32: {  	s10 =	sld [smem:$0x3FAC];
	_ =	sdelay $0x3  }
0x33: {  	p0 =	seq.s32 s10, $0x1;
	s10 =	sld [smem:$0x3FAE];
	_ =	sdelay $0x3  }
0x34: {  	[smem:$0x3FAE] =	sst s10  }
0x35: {  	s10 =	sld [smem:$0x3FAD];
	_ =	sdelay $0x3  }
0x36: {  	p1 =	seq.s32 s10, $0x1;
	s10 =	sld [smem:$0x3FAE];
	_ =	sdelay $0x3  }
0x37: {  	[smem:$0x3FAE] =	sst s10  }
0x38: {  	s10 =	sld [smem:$0x3FAF]  }
0x39: {  	_ = 	snop;
	(pc) =	sbr.ind lr, $3  }
0x3a: {  	_ = 	snop  }
0x3b: {  	_ = 	snop  }
0x3c: {  	p2 =	seq.s32 s10, $0x1;
	s10 =	sld [smem:$0x3FAE]  }
0x3d: {  	_ =	shalt  }
0x3e: {  	_ =	shalt  }
0x3f: {  	_ =	shalt  }
0x40: {  	_ =	shalt  }
0x41: {  	_ =	shalt  }
0x42: {  	_ =	shalt  }
0x43: {  	_ =	shalt  }
0x44: {  	_ =	shalt  }
0x45: {  	_ =	shalt  }
0x46: {  	_ =	shalt  }
0x47: {  	_ =	shalt  }
0x48: {  	_ =	shalt  }
0x49: {  	_ =	shalt  }
0x4a: {  	_ =	shalt  }
0x4b: {  	_ =	shalt  }
0x4c: {  	_ =	shalt  }
0x4d: {  	_ =	shalt  }
0x4e: {  	_ =	shalt  }
0x4f: {  	_ =	shalt  }
0x50: {  	_ =	shalt  }
0x51: {  	_ =	shalt  }
0x52: {  	_ =	shalt  }
0x53: {  	_ =	shalt  }
0x54: {  	_ =	shalt  }
0x55: {  	_ =	shalt  }
0x56: {  	_ =	shalt  }
0x57: {  	_ =	shalt  }
0x58: {  	_ =	shalt  }
0x59: {  	_ =	shalt  }
0x5a: {  	_ =	shalt  }
0x5b: {  	_ =	shalt  }
0x5c: {  	_ =	shalt  }
0x5d: {  	_ =	shalt  }
0x5e: {  	_ =	shalt  }
0x5f: {  	_ =	shalt  }
0x60: {  	_ =	shalt  }
0x61: {  	_ =	shalt  }
0x62: {  	_ =	shalt  }
0x63: {  	_ =	shalt  }
0x64: {  	_ =	shalt  }
0x65: {  	_ =	shalt  }
0x66: {  	_ =	shalt  }
0x67: {  	_ =	shalt  }
0x68: {  	_ =	shalt  }
0x69: {  	_ =	shalt  }
0x6a: {  	_ =	shalt  }
0x6b: {  	_ =	shalt  }
0x6c: {  	_ =	shalt  }
0x6d: {  	_ =	shalt  }
0x6e: {  	_ =	shalt  }
0x6f: {  	_ =	shalt  }
0x70: {  	_ =	shalt  }
0x71: {  	_ =	shalt  }
0x72: {  	_ =	shalt  }
0x73: {  	_ =	shalt  }
0x74: {  	_ =	shalt  }
0x75: {  	_ =	shalt  }
0x76: {  	_ =	shalt  }
0x77: {  	_ =	shalt  }
0x78: {  	_ =	shalt  }
0x79: {  	_ =	shalt  }
0x7a: {  	_ =	shalt  }
0x7b: {  	_ =	shalt  }
0x7c: {  	_ =	shalt  }
0x7d: {  	_ =	shalt  }
0x7e: {  	_ =	shalt  }
0x7f: {  	_ =	shalt  }
0x80: {  	_ =	shalt  }
0x81: {  	_ =	shalt  }
0x82: {  	_ =	shalt  }
0x83: {  	_ =	shalt  }
0x84: {  	_ =	shalt  }
0x85: {  	_ =	shalt  }
0x86: {  	_ =	shalt  }
0x87: {  	_ =	shalt  }
.Lfunc_end0:
.L_simem_size_0:
called_computation.6_lowered:
.L_overlay_start_0:
0x88: {  	s2 =	sld [smem:$0x3FD9]  }
0x89: {  	s3 =	sld [smem:$0x3FFE];
	_ =	sdelay $0x1  }
0x8a: {  	s1 =	srdreg.scid  }
0x8b: {  	s0 =	sand.u32 $0x1, s1  }
0x8c: {  	s16 =	sshll.u32 s0, $0xA;
	s2 =	sadd.s32 s3, s2  }
0x8d: {  	s2 =	sadd.s32 s2, s16  }
0x8e: {  	[smem:$0x3FBA] =	sst s2  }
0x8f: {  	_ = 	snop  }
0x90: {  	(tm) =	ssettm $0x1  }
0x91: {  	s17 =	sld [smem:$0x3FFB];
	_ =	sdelay $0x3  }
0x92: {  	_ =	strace s17  }
0x93: {  	s2 =	sld [smem:$0x3FFC];
	_ =	sdelay $0x3  }
0x94: {  	_ =	strace s2  }
0x95: {  	s2 =	sld [smem:$0x3FFD];
	_ =	sdelay $0x3  }
0x96: {  	_ =	strace s2  }
0x97: {  	_ =	strace $0x8FFFFFFF  }
0x98: {  	s18 =	sld [smem:$0x3FDB];
	_ =	sdelay $0x1  }
0x99: {  	s19 =	simm.s32 $_scs_section_size  }
0x9a: {  	s4 =	simm.s32 $_size__tile_overlayer_lowered;
	s5 =	simm.s32 $_tile_overlayer_lowered  }
0x9b: {  	s22 =	simm.s32 $0x1BFF;
	s21 =	sshll.u32 s5, $0x1;
	s2 =	sadd.s32 s19, s18  }
0x9c: {  	s6 =	simm.s32 $0x0;
	s20 =	sshll.u32 s4, $0x1;
	s4 =	sadd.s32 s21, s2  }
0x9d: {  	[timem:s6], [sflag:s22] =	dma.local [hbm:s4], s20  }
0x9e: {  	_ =	swait.ge [sflag:s22], s20  }
0x9f: {  	s3 =	ssub.s32 $0x0, s20;
	[sflag:s22] =	ssyncset.done $0x0  }
0xa0: {  	[sflag:s22] =	ssyncadd.s32 s3;
	_ =	sdelay $0x1  }
0xa1: {  	s23 =	simm.s32 $0x1B8B  }
0xa2: {  	_ =	swait.ge [sflag:s23], $0x1  }
0xa3: {  	[sflag:s23] =	ssyncset.done $0x0  }
0xa4: {  	s25 =	simm.s32 $0x1B8E;
	s24 =	sld [smem:$0x3FFE];
	[sflag:s23] =	ssyncadd.s32 $0xFFFFFFFF  }
0xa5: {  	s26 =	simm.s32 $execute0_lowered;
	[smem:$0x3FD2] =	sst s25  }
0xa6: {  	s4 =	sshll.u32 s26, $0x1;
	_ =	strace $0x80000055;
	[dreg:$0x1] =	wrdreg $0xFFFFFFFF  }
0xa7: {  	s28 =	simm.s32 $_size_execute0_lowered;
	s2 =	sadd.s32 s2, s4;
	[dreg:$0x0] =	wrdreg $0x0  }
0xa8: {  	s4 =	sshll.u32 s28, $0x1;
	[dreg:$0x2] =	wrdreg s2  }
0xa9: {  	[dreg:$0x3] =	wrdreg s4  }
0xaa: {  	[dreg:$0x4] =	wrdreg $0xC0  }
0xab: {  	_ =	task [dreg:s6], $0x5FFFF  }
0xac: {  	[dreg:$0x1] =	wrdreg $0xFFFFFFFF  }
0xad: {  	[dreg:$0x0] =	wrdreg $0x60  }
0xae: {  	[dreg:$0x2] =	wrdreg s24  }
0xaf: {  	[dreg:$0x3] =	wrdreg $0xA  }
0xb0: {  	_ =	task.clear_ibuf [dreg:s6], $0x4FFFF;
	_ =	strace $0x90000055  }
0xb1: {  	s29 =	simm.s32 $0xA;
	_ =	strace $0x80000057  }
0xb2: {  	_ =	swait.ge [sflag:s29], $0x1  }
0xb3: {  	[sflag:s29] =	ssyncadd.s32 $0xFFFFFFFF  }
0xb4: {  	_ =	strace $0x90000057  }
0xb5: {  	_ =	sfence  }
0xb6: {  	s30 =	sld [smem:$0x0];
	_ =	sdelay $0x2  }
0xb7: {  	s31 =	sshll.u32 s1, $0xD;
	s1 =	sshrl.u32 s1, $0x2  }
0xb8: {  	s3 =	sand.u32 $0x4000, s31;
	s1 =	sadd.s32 s1, s30  }
0xb9: {  	s0 =	sor.u32 s3, s0;
	s1 =	sshll.u32 s1, $0x11  }
0xba: {  	s0 =	sor.u32 s1, s0  }
0xbb: {  	s0 =	sadd.s32 $0x8F2B, s0  }
0xbc: {  	[sflag:s0] =	ssyncadd.remote.s32 $0x1  }
0xbd: {  	_ =	sfence.sel $0xFFFF  }
0xbe: {  	[dreg:$0x0] =	wrdreg $0xFFFFFFFF;
	(pc) =	sbr.abs _section_cstart, $3  }
0xbf: {  	[dreg:$0x1] =	wrdreg $0xFFFFFFFF  }
0xc0: {  	_ =	task.clear_ibuf [dreg:s6], $0x2FFFF;
	_ =	strace $0x9FFFFFFF  }
0xc1: {  	(tm) =	ssettm $0x7FFFFFFF  }
tec
execute0_lowered:
.L_overlay_start_1:
0x0: {  	(tag) =	ssettag $0x1  }
0x1: {  	s7 =	rddreg [dreg:$0x0]  }
0x2: {  	s0 =	rddreg [dreg:$0x1];
	_ =	strace $0x80000056  }
0x3: {  	s1 =	srdreg.scid;
	s4 =	simm.s32 $0x1;
	s9 =	simm.s32 $0x3  }
0x4: {  	s11 =	simm.s32 $0x0;
	p0 =	por $0x0, $0x0;
	s5 =	sshll.u32 s1, $0x4  }
.Ltmp0:
0x5: {  	s1 =	stileid.u32;
	s5 =	sand.u32 $0x10, s5;
	(pc) =	sbr.rel .LBB2_1-.Ltmp0, $4  }
0x6: {  	s2 =	sadd.s32 $0x41000, s7;
	s3 =	sadd.s32 $0x40E00, s7;
	s6 =	sor.u32 s1, s5  }
0x7: {  	[sflag:s4] =	ssyncpa.u1 $0x0;
	s5 =	simm.s32 $0x2;
	s6 =	sshll.u32 s6, $0x6  }
0x8: {  	s7 =	sadd.s32 $0x101000, s7;
	[sflag:s5] =	ssyncpa.u1 $0x0;
	s8 =	sadd.s32 $0x40, s6  }
0x9: {  	vm0 =	vmmov $0xff;
	vm1 =	vcmask $0x3F20;
	[sflag:s9] =	ssyncpa.u1 $0x0;
	s10 =	smov.u32 s6;
	s9 =	simm.s32 $0x0  }
.LBB2_9:
0xa: {  	p1 =	slt.u32 s9, $0x2;
	s11 =	sadd.s32 $0x20, s10  }
0xb: {  	s13 =	smov.u32 s6;
	s9 =	sadd.s32 $0x1, s9;
	p2 =	slt.s32 s11, s8  }
0xc: {  	s13 =	smov.u32 @p2 s11;
	p2 =	sne.s32 s9, $0x4  }
.Ltmp1:
0xd: {  	_ = 	snop;
	(pc) =	sbr.rel @!p2 .LBB2_10-.Ltmp1, $4  }
0xe: {  	s12 =	simm.s32 @!p1 $0x3  }
0xf: {  	_ =	swait.ge @!p1 [sflag:s12], $0x8000  }
0x10: {  	p0 =	por !p0, !p0;
	[sflag:s12] =	ssyncset.done @!p1 $0x0  }
0x11: {  	s11 =	smov.u32 s10;
	s10 =	smov.u32 s13;
	[sflag:s12] =	ssyncadd.s32 @!p1 $0xFFFF8000  }
.LBB2_1:
0x12: {  	p1 =	sgt.u32 s9, $0x1  }
0x13: {  	s12 =	sshll.u32 @!p1 s9, $0x5;
	s13 =	sshrl.u32 @!p1 s10, $0x3  }
0x14: {  	s14 =	sand.u32 @!p1 $0x7, s10;
	s12 =	sxor.u32 @!p1 $0x20, s12;
	s13 =	sadd.s32 @!p1 s3, s13  }
0x15: {  	[tilespmem:s12], [sflag:$0x2] =	stream.linear.gather @!p1 [hbm4b:s13+s14], $0x20, $0x38;
	[tilespmem:$0x10040] =	vst v63  }
0x16: {  	p1 =	seq.s32 s9, $0x0  }
0x17: {  	p2 =	seq.s32 @!p1 s9, $0x3  }
0x18: {  	p1 =	por p1, p2  }
.Ltmp2:
0x19: {  	_ = 	snop;
	(pc) =	sbr.rel @p1 .LBB2_9-.Ltmp2, $1  }
0x1a: {  	_ =	sdelay $0x3  }
0x1b: {  	s12 =	simm.s32 $0x1  }
0x1c: {  	_ =	swait.ge [sflag:s5], $0x20;
	s13 =	sand.u32 $0x1, s9;
	s12 =	simm.s32 @!p0 $0x0  }
0x1d: {  	s15 =	simm.s32 $0x0;
	p2 =	por $0x1, $0x1;
	s12 =	sshll.u32 s12, $0x11  }
0x1e: {  	[sflag:s5] =	ssyncset.done $0x0;
	s13 =	sshll.u32 s13, $0x5;
	s14 =	sshrl.u32 s12, $0x2  }
0x1f: {  	[sflag:s5] =	ssyncadd.s32 $0xFFFFFFE0;
	s12 =	sor.u32 $0x40, s14;
	s14 =	sadd.s32 $0x40, s14  }
.LBB2_3:
0x20: {  	s16 =	sshll.u32 s15, $0x4  }
0x21: {  	s16 =	sand.u32 $0x3FFFFFF0, s16  }
0x22: {  	s16 =	sadd.s32 s16, s13  }
0x23: {  	v0 =	vld.msk [tilespmem:s16+$0x0 ss:$0x1], $0xffff;
	_ =	sdelay $0x4  }
0x24: {  	vm2 =	vgt.s32 v0, $0x0  }
0x25: {  	v0 =	vnsel vm2, $0x0, v0  }
0x26: {  	v0 =	vmin.u32 v0, $0x17FF  }
0x27: {  	v1 =	vshll.u32 v0, $0x7;
	v0 =	vshll.u32 v0, $0x4  }
0x28: {  	v1 =	vand.u32 $0xFFC00, v1;
	v0 =	vand.u32 $0x70, v0  }
0x29: {  	v0 =	vor.u32 v0, v1  }
0x2a: {  	s31 =	sshll.u32 s15, $0x10  }
0x2b: {  	s15 =	sshra.s32 s31, $0x2  }
0x2c: {  	s15 =	sadd.s32 s15, s14  }
0x2d: {  	s17 =	sadd.s32 $0x0, s15  }
0x2e: {  	[tilespmem:s17], [sflag:$0x1] =	stream.indirect_vreg.gather [hbm:s2], $0x80, v0, vm0, $0x38;
	[tilespmem:$0x10040] =	vst v63  }
0x2f: {  	p1 =	por p2, p2;
	s16 =	simm.s32 $0x1000;
	v1 =	vadd.s32 $0x80, v0;
	s17 =	sadd.s32 $0x2000, s17  }
.LBB2_4:
0x30: {  	[tilespmem:s17], [sflag:$0x1] =	stream.indirect_vreg.gather [hbm:s2], $0x80, v0, vm1, $0x38;
	[tilespmem:$0x10040] =	vst v63  }
0x31: {  	v0 =	vmov v1;
	s17 =	smov.u32 s16;
	p2 =	sne.s32 s16, $0x7000  }
.Ltmp3:
0x32: {  	s16 =	sadd.s32 $0x1000, s16;
	(pc) =	sbr.rel @p2 .LBB2_4-.Ltmp3, $4  }
0x33: {  	s17 =	sshra.s32 s17, $0x2  }
0x34: {  	s17 =	sadd.s32 s17, s15  }
0x35: {  	[tilespmem:s17], [sflag:$0x1] =	stream.indirect_vreg.gather [hbm:s2], $0x80, v1, vm0, $0x38;
	[tilespmem:$0x10040] =	vst v63  }
0x36: {  	s17 =	sadd.s32 $0x2000, s17;
	v1 =	vadd.s32 $0x80, v1  }
0x37: {  	_ = 	snop  }
.Ltmp4:
0x38: {  	_ = 	snop;
	(pc) =	sbr.rel @p1 .LBB2_3-.Ltmp4, $3  }
0x39: {  	_ =	sdelay $0x1  }
0x3a: {  	[tilespmem:s17], [sflag:$0x1] =	stream.indirect_vreg.gather [hbm:s2], $0x80, v0, vm1, $0x38;
	[tilespmem:$0x10040] =	vst v63  }
0x3b: {  	s15 =	simm.s32 $0x1;
	p2 =	por $0x0, $0x0  }
0x3c: {  	s13 =	sshll.u32 s11, $0x7  }
0x3d: {  	s31 =	sshll.u32 s11, $0x4;
	s13 =	sand.u32 $0xFFFFFC00, s13  }
0x3e: {  	_ =	swait.ge [sflag:s4], $0x8000;
	s11 =	sand.u32 $0x70, s31;
	s13 =	sadd.s32 s13, s7  }
0x3f: {  	s14 =	sadd.s32 $0x2000, s12;
	[sflag:s4] =	ssyncset.done $0x0;
	s11 =	sadd.s32 s11, s13  }
0x40: {  	[sflag:s4] =	ssyncadd.s32 $0xFFFF8000;
	s13 =	simm.s32 $0x400;
	s15 =	sadd.s32 $0x0, s11  }
.LBB2_7:
0x41: {  	[hbm:s15] =	stream.linear.scatter [tilespmem:s12], [sflag:$0x3], $0x2000, $0x38;
	[tilespmem:$0x10040] =	vst v63  }
0x42: {  	s15 =	smov.u32 s13;
	s12 =	smov.u32 s14;
	p1 =	sne.s32 s13, $0xC00  }
.Ltmp5:
0x43: {  	s13 =	sadd.s32 $0x400, s13;
	(pc) =	sbr.rel @p1 .LBB2_7-.Ltmp5, $2  }
0x44: {  	_ =	sdelay $0x2  }
0x45: {  	s14 =	sadd.s32 $0x2000, s14;
	s15 =	sadd.s32 s15, s11  }
.Ltmp6:
0x46: {  	(pc) =	sbr.rel .LBB2_9-.Ltmp6, $2  }
0x47: {  	_ =	sdelay $0x2  }
0x48: {  	[hbm:s15] =	stream.linear.scatter [tilespmem:s12], [sflag:$0x3], $0x2000, $0x38;
	[tilespmem:$0x10040] =	vst v63  }
.LBB2_10:
0x49: {  	_ =	sfence.sel $0x180000  }
0x4a: {  	s2 =	simm.s32 $0x2;
	[bflag:$0x0] =	sbarrier.arrive $0xFFFF  }
0x4b: {  	s30 =	simm.s32 $0x3;
	[sflag:s2] =	ssyncpa.u1 $0x1  }
0x4c: {  	s31 =	simm.s32 $0x1;
	[sflag:s30] =	ssyncpa.u1 $0x1  }
0x4d: {  	[sflag:s31] =	ssyncpa.u1 $0x1  }
0x4e: {  	p0 =	sne.s32 s1, $0x0;
	_ =	strace $0x90000056  }
0x4f: {  	s0 =	sadd.s32 @!p0 $0x100000, s0;
	[bflag:$0x2] =	sbarrier.arrive $0xFFFF  }
0x50: {  	[sflag:s0] =	ssyncadd.tile.s32 @!p0 $0x1;
	_ =	shalt  }
.Lfunc_end2:
_tile_overlayer_lowered:
.L_overlay_start_2:
0x51: {  	(tag) =	ssettag $0x2  }
0x52: {  	s0 =	rddreg [dreg:$0x0];
	s2 =	stileid.u32  }
0x53: {  	s1 =	rddreg [dreg:$0x1];
	p0 =	sne.s32 s2, $0x0  }
0x54: {  	s3 =	rddreg [dreg:$0x2];
	[bflag:$0x3] =	sbarrier.arrive $0xFFFF;
	s2 =	simm.s32 @!p0 $0x1C01  }
0x55: {  	[timem:s3], [sflag:s2] =	dma.local @!p0 [hbm:s0], s1  }
0x56: {  	s0 =	simm.s32 @!p0 $0x1  }
0x57: {  	_ =	swait.ge @!p0 [sflag:s0], s1  }
0x58: {  	s1 =	ssub.s32 @!p0 $0x0, s1;
	[sflag:s0] =	ssyncset.done @!p0 $0x0  }
0x59: {  	[sflag:s0] =	ssyncadd.s32 @!p0 s1  }
0x5a: {  	[bflag:$0x3] =	sbarrier.arrive $0xFFFF  }
0x5b: {  	_ =	shalt  }

// kernel: gather_offload_async_start
scs
__scs_entry_jumppad:
0x0: {  	(pc) =	sbr.rel $0x88, $3  }
0x1: {  	(tag) =	ssettag $0x0;
	lr =	simm.s32 $0x1  }
0x2: {  	[smem:$0x3F93] =	sst lr;
	_ =	strace $0xD0000000  }
0x3: {  	_ = 	snop  }
0x4: {  	_ = 	snop  }
0x5: {  	_ = 	snop  }
0x6: {  	_ = 	snop  }
0x7: {  	_ = 	snop  }
__scs_overlays_trampoline_lowered:
0x8: {  	[smem:$0x3FA2] =	sst s0  }
0x9: {  	[smem:$0x3FA3] =	sst s1  }
0xa: {  	[smem:$0x3FA4] =	sst s2  }
0xb: {  	[smem:$0x3FA5] =	sst s3  }
0xc: {  	[smem:$0x3FA6] =	sst s4  }
0xd: {  	[smem:$0x3FA7] =	sst s5  }
0xe: {  	[smem:$0x3FA8] =	sst s6  }
0xf: {  	[smem:$0x3FA9] =	sst s7  }
0x10: {  	[smem:$0x3FAA] =	sst s8  }
0x11: {  	[smem:$0x3FAB] =	sst s9;
	s0 =	simm.s32 @!p0 $0x0  }
0x12: {  	s1 =	sld [smem:$0x3F91];
	s0 =	simm.s32 @p0 $0x1  }
0x13: {  	[smem:$0x3FAC] =	sst s0;
	s0 =	simm.s32 @!p1 $0x0  }
0x14: {  	s2 =	sld [smem:$0x3F90];
	s0 =	simm.s32 @p1 $0x1  }
0x15: {  	[smem:$0x3FAD] =	sst s0;
	s0 =	simm.s32 @!p2 $0x0  }
0x16: {  	s3 =	sld [smem:$0x3FDB];
	s0 =	simm.s32 @p2 $0x1  }
0x17: {  	s4 =	simm.s32 $0x1BF5;
	[smem:$0x3FAF] =	sst s0  }
0x18: {  	s0 =	sld [smem:$0x3F92];
	_ =	swait.ge [sflag:s4], $0x0  }
0x19: {  	s7 =	sld [smem:$0x3F93]  }
0x1a: {  	s8 =	sadd.s32 $0xFFFFE003, lr  }
0x1b: {  	s9 =	sadd.s32 $0xFFFFFEF7, lr;
	s5 =	simm.s32 $0xFFFFFFFF;
	p2 =	slt.u32 s8, $0xFFFFF086  }
0x1c: {  	p1 =	slt.u32 s9, $0xF7A;
	s5 =	simm.s32 @!p2 $0x0  }
0x1d: {  	s5 =	simm.s32 @p1 $0x1;
	p0 =	seq.s32 s7, s2  }
0x1e: {  	s7 =	smul.u32 @!p0 $0xF7A, s2;
	p2 =	seq.s32 @!p0 s5, $0x0  }
0x1f: {  	s9 =	smul.u32 $0xF7A, s1;
	s8 =	simm.s32 @!p0 $0x1BF5;
	p2 =	por !p2, p0  }
0x20: {  	[sflag:s8] =	ssyncset.s32 @!p0 $0xFFFFF086;
	s6 =	sadd.s32 @!p0 s3, s7;
	s7 =	simm.s32 @!p0 $0x108  }
0x21: {  	s3 =	sadd.s32 s3, s9;
	s6 =	sadd.s32 @!p0 $0x88, s6;
	s7 =	simm.s32 @p2 $0x1082  }
0x22: {  	[simem:s7], [sflag:s8] =	dma.local @!p0 [hbm:s6], $0xF7A  }
0x23: {  	s9 =	sor.u32 $0xD0000000, s2;
	s6 =	simm.s32 $0x108;
	_ =	swait.ge @!p0 [sflag:s8], $0x0  }
0x24: {  	s3 =	sadd.s32 $0x88, s3;
	s6 =	simm.s32 @!p1 $0x1082;
	[sflag:s4] =	ssyncset.s32 $0xFFFFF086  }
0x25: {  	[simem:s6], [sflag:s4] =	dma.local [hbm:s3], $0xF7A  }
0x26: {  	[smem:$0x3F93] =	sst s1;
	(tag) =	ssettag s2;
	_ =	strace s9  }
0x27: {  	s1 =	sld [smem:$0x3FA3]  }
0x28: {  	s2 =	sld [smem:$0x3FA4]  }
0x29: {  	s4 =	sld [smem:$0x3FA6]  }
0x2a: {  	p0 =	seq.s32 s5, $0x0;
	s5 =	sld [smem:$0x3FA7]  }
0x2b: {  	s6 =	sld [smem:$0x3FA8]  }
0x2c: {  	s7 =	sld [smem:$0x3FA9]  }
0x2d: {  	s3 =	simm.s32 $0x108;
	s8 =	sld [smem:$0x3FAA]  }
0x2e: {  	s3 =	simm.s32 @!p0 $0x1082;
	s9 =	sld [smem:$0x3FAB]  }
0x2f: {  	lr =	sadd.s32 s0, s3;
	s0 =	sld [smem:$0x3FA2]  }
0x30: {  	s3 =	sld [smem:$0x3FA5]  }
0x31: {  	[smem:$0x3FAE] =	sst s10  }
0x32: {  	s10 =	sld [smem:$0x3FAC];
	_ =	sdelay $0x3  }
0x33: {  	p0 =	seq.s32 s10, $0x1;
	s10 =	sld [smem:$0x3FAE];
	_ =	sdelay $0x3  }
0x34: {  	[smem:$0x3FAE] =	sst s10  }
0x35: {  	s10 =	sld [smem:$0x3FAD];
	_ =	sdelay $0x3  }
0x36: {  	p1 =	seq.s32 s10, $0x1;
	s10 =	sld [smem:$0x3FAE];
	_ =	sdelay $0x3  }
0x37: {  	[smem:$0x3FAE] =	sst s10  }
0x38: {  	s10 =	sld [smem:$0x3FAF]  }
0x39: {  	_ = 	snop;
	(pc) =	sbr.ind lr, $3  }
0x3a: {  	_ = 	snop  }
0x3b: {  	_ = 	snop  }
0x3c: {  	p2 =	seq.s32 s10, $0x1;
	s10 =	sld [smem:$0x3FAE]  }
0x3d: {  	_ =	shalt  }
0x3e: {  	_ =	shalt  }
0x3f: {  	_ =	shalt  }
0x40: {  	_ =	shalt  }
0x41: {  	_ =	shalt  }
0x42: {  	_ =	shalt  }
0x43: {  	_ =	shalt  }
0x44: {  	_ =	shalt  }
0x45: {  	_ =	shalt  }
0x46: {  	_ =	shalt  }
0x47: {  	_ =	shalt  }
0x48: {  	_ =	shalt  }
0x49: {  	_ =	shalt  }
0x4a: {  	_ =	shalt  }
0x4b: {  	_ =	shalt  }
0x4c: {  	_ =	shalt  }
0x4d: {  	_ =	shalt  }
0x4e: {  	_ =	shalt  }
0x4f: {  	_ =	shalt  }
0x50: {  	_ =	shalt  }
0x51: {  	_ =	shalt  }
0x52: {  	_ =	shalt  }
0x53: {  	_ =	shalt  }
0x54: {  	_ =	shalt  }
0x55: {  	_ =	shalt  }
0x56: {  	_ =	shalt  }
0x57: {  	_ =	shalt  }
0x58: {  	_ =	shalt  }
0x59: {  	_ =	shalt  }
0x5a: {  	_ =	shalt  }
0x5b: {  	_ =	shalt  }
0x5c: {  	_ =	shalt  }
0x5d: {  	_ =	shalt  }
0x5e: {  	_ =	shalt  }
0x5f: {  	_ =	shalt  }
0x60: {  	_ =	shalt  }
0x61: {  	_ =	shalt  }
0x62: {  	_ =	shalt  }
0x63: {  	_ =	shalt  }
0x64: {  	_ =	shalt  }
0x65: {  	_ =	shalt  }
0x66: {  	_ =	shalt  }
0x67: {  	_ =	shalt  }
0x68: {  	_ =	shalt  }
0x69: {  	_ =	shalt  }
0x6a: {  	_ =	shalt  }
0x6b: {  	_ =	shalt  }
0x6c: {  	_ =	shalt  }
0x6d: {  	_ =	shalt  }
0x6e: {  	_ =	shalt  }
0x6f: {  	_ =	shalt  }
0x70: {  	_ =	shalt  }
0x71: {  	_ =	shalt  }
0x72: {  	_ =	shalt  }
0x73: {  	_ =	shalt  }
0x74: {  	_ =	shalt  }
0x75: {  	_ =	shalt  }
0x76: {  	_ =	shalt  }
0x77: {  	_ =	shalt  }
0x78: {  	_ =	shalt  }
0x79: {  	_ =	shalt  }
0x7a: {  	_ =	shalt  }
0x7b: {  	_ =	shalt  }
0x7c: {  	_ =	shalt  }
0x7d: {  	_ =	shalt  }
0x7e: {  	_ =	shalt  }
0x7f: {  	_ =	shalt  }
0x80: {  	_ =	shalt  }
0x81: {  	_ =	shalt  }
0x82: {  	_ =	shalt  }
0x83: {  	_ =	shalt  }
0x84: {  	_ =	shalt  }
0x85: {  	_ =	shalt  }
0x86: {  	_ =	shalt  }
0x87: {  	_ =	shalt  }
.Lfunc_end0:
.L_simem_size_0:
called_computation.1_lowered:
.L_overlay_start_0:
0x88: {  	s2 =	sld [smem:$0x3FD9]  }
0x89: {  	s3 =	sld [smem:$0x3FFE];
	_ =	sdelay $0x1  }
0x8a: {  	s1 =	srdreg.scid  }
0x8b: {  	s0 =	sand.u32 $0x1, s1  }
0x8c: {  	s16 =	sshll.u32 s0, $0xA;
	s2 =	sadd.s32 s3, s2  }
0x8d: {  	s2 =	sadd.s32 s2, s16  }
0x8e: {  	[smem:$0x3FBA] =	sst s2  }
0x8f: {  	_ = 	snop  }
0x90: {  	(tm) =	ssettm $0x1  }
0x91: {  	s17 =	sld [smem:$0x3FFB];
	_ =	sdelay $0x3  }
0x92: {  	_ =	strace s17  }
0x93: {  	s2 =	sld [smem:$0x3FFC];
	_ =	sdelay $0x3  }
0x94: {  	_ =	strace s2  }
0x95: {  	s2 =	sld [smem:$0x3FFD];
	_ =	sdelay $0x3  }
0x96: {  	_ =	strace s2  }
0x97: {  	_ =	strace $0x8FFFFFFF  }
0x98: {  	s18 =	sld [smem:$0x3FDB];
	_ =	sdelay $0x1  }
0x99: {  	s19 =	simm.s32 $_scs_section_size  }
0x9a: {  	s4 =	simm.s32 $_size__tile_overlayer_lowered;
	s5 =	simm.s32 $_tile_overlayer_lowered  }
0x9b: {  	s22 =	simm.s32 $0x1BFF;
	s21 =	sshll.u32 s5, $0x1;
	s2 =	sadd.s32 s19, s18  }
0x9c: {  	s6 =	simm.s32 $0x0;
	s20 =	sshll.u32 s4, $0x1;
	s4 =	sadd.s32 s21, s2  }
0x9d: {  	[timem:s6], [sflag:s22] =	dma.local [hbm:s4], s20  }
0x9e: {  	_ =	swait.ge [sflag:s22], s20  }
0x9f: {  	s3 =	ssub.s32 $0x0, s20;
	[sflag:s22] =	ssyncset.done $0x0  }
0xa0: {  	[sflag:s22] =	ssyncadd.s32 s3;
	_ =	sdelay $0x1  }
0xa1: {  	s23 =	simm.s32 $0x1B8B  }
0xa2: {  	_ =	swait.ge [sflag:s23], $0x1  }
0xa3: {  	[sflag:s23] =	ssyncset.done $0x0  }
0xa4: {  	s25 =	simm.s32 $0x1B8E;
	s24 =	sld [smem:$0x3FFE];
	[sflag:s23] =	ssyncadd.s32 $0xFFFFFFFF  }
0xa5: {  	s26 =	simm.s32 $execute0_lowered;
	[smem:$0x3FD2] =	sst s25  }
0xa6: {  	s4 =	sshll.u32 s26, $0x1;
	_ =	strace $0x80000049;
	[dreg:$0x1] =	wrdreg $0xFFFFFFFF  }
0xa7: {  	s28 =	simm.s32 $_size_execute0_lowered;
	s2 =	sadd.s32 s2, s4;
	[dreg:$0x0] =	wrdreg $0x0  }
0xa8: {  	s4 =	sshll.u32 s28, $0x1;
	[dreg:$0x2] =	wrdreg s2  }
0xa9: {  	[dreg:$0x3] =	wrdreg s4  }
0xaa: {  	[dreg:$0x4] =	wrdreg $0xC0  }
0xab: {  	_ =	task [dreg:s6], $0x5FFFF  }
0xac: {  	[dreg:$0x1] =	wrdreg $0xFFFFFFFF  }
0xad: {  	[dreg:$0x0] =	wrdreg $0x60  }
0xae: {  	[dreg:$0x2] =	wrdreg s24  }
0xaf: {  	[dreg:$0x3] =	wrdreg $0x9  }
0xb0: {  	_ =	task.clear_ibuf [dreg:s6], $0x4FFFF;
	_ =	strace $0x90000049  }
0xb1: {  	s29 =	simm.s32 $0x9;
	_ =	strace $0x8000004B  }
0xb2: {  	_ =	swait.ge [sflag:s29], $0x1  }
0xb3: {  	[sflag:s29] =	ssyncadd.s32 $0xFFFFFFFF  }
0xb4: {  	_ =	strace $0x9000004B  }
0xb5: {  	_ =	sfence  }
0xb6: {  	s30 =	sld [smem:$0x0];
	_ =	sdelay $0x2  }
0xb7: {  	s31 =	sshll.u32 s1, $0xD;
	s1 =	sshrl.u32 s1, $0x2  }
0xb8: {  	s3 =	sand.u32 $0x4000, s31;
	s1 =	sadd.s32 s1, s30  }
0xb9: {  	s0 =	sor.u32 s3, s0;
	s1 =	sshll.u32 s1, $0x11  }
0xba: {  	s0 =	sor.u32 s1, s0  }
0xbb: {  	s0 =	sadd.s32 $0x8F2B, s0  }
0xbc: {  	[sflag:s0] =	ssyncadd.remote.s32 $0x1  }
0xbd: {  	_ =	sfence.sel $0xFFFF  }
0xbe: {  	[dreg:$0x0] =	wrdreg $0xFFFFFFFF;
	(pc) =	sbr.abs _section_cstart, $3  }
0xbf: {  	[dreg:$0x1] =	wrdreg $0xFFFFFFFF  }
0xc0: {  	_ =	task.clear_ibuf [dreg:s6], $0x2FFFF;
	_ =	strace $0x9FFFFFFF  }
0xc1: {  	(tm) =	ssettm $0x7FFFFFFF  }
tec
execute0_lowered:
.L_overlay_start_1:
0x0: {  	(tag) =	ssettag $0x1  }
0x1: {  	s0 =	srdreg.scid;
	s5 =	rddreg [dreg:$0x0]  }
0x2: {  	s1 =	stileid.u32;
	s6 =	simm.s32 $0x1;
	s9 =	simm.s32 $0x1  }
0x3: {  	s10 =	simm.s32 $0x3;
	s13 =	simm.s32 $0x0;
	s2 =	sshll.u32 s0, $0x6  }
0x4: {  	s12 =	simm.s32 $0x0;
	s3 =	sshll.u32 s1, $0x7;
	s2 =	sand.u32 $0x40, s2  }
0x5: {  	s0 =	rddreg [dreg:$0x1];
	_ =	strace $0x8000004A;
	s2 =	sor.u32 s3, s2  }
0x6: {  	s4 =	sadd.s32 $0x41200, s5;
	[sflag:s6] =	ssyncpa.u1 $0x0;
	s8 =	ssub.s32 $0x1000, s2  }
.Ltmp0:
0x7: {  	s3 =	sadd.s32 $0x40E00, s5;
	s7 =	sand.u32 $0x7C0, s8;
	(pc) =	sbr.rel .LBB2_1-.Ltmp0, $4  }
0x8: {  	s5 =	sadd.s32 $0x43600, s5;
	s11 =	smov.u32 s2;
	p0 =	sne.s32 s7, $0x0  }
0x9: {  	s8 =	sshrl.u32 s8, $0xB;
	s7 =	simm.s32 $0x2;
	s9 =	simm.s32 @!p0 $0x0  }
0xa: {  	[sflag:s7] =	ssyncpa.u1 $0x0;
	p0 =	por $0x0, $0x0;
	s8 =	sadd.s32 s9, s8  }
0xb: {  	vm0 =	vmmov $0xffff;
	[sflag:s10] =	ssyncpa.u1 $0x0;
	s10 =	simm.s32 $0x0;
	s9 =	sadd.s32 $0x1, s8  }
.LBB2_4:
0xc: {  	v2 =	vnsel vm1, $0x0, v2  }
0xd: {  	vm1 =	vgt.s32 v0, $0x0;
	v2 =	vmin.u32 v2, $0xFFF  }
0xe: {  	v0 =	vnsel vm1, $0x0, v0  }
0xf: {  	v0 =	vmin.u32 v0, $0xFFF  }
0x10: {  	[tilespmem:s15], [sflag:$0x1] =	stream.indirect_vreg.gather [hbm4b:s3+s10], $0x1, v1, vm0, $0x4038;
	[tilespmem:$0x100] =	vst v63  }
0x11: {  	(ifvalue) =	ssetifvalue $0x7FFFFFFF  }
0x12: {  	[tilespmem:s16], [sflag:$0x1] =	stream.indirect_vreg.gather [hbm4b:s3+s10], $0x1, v2, vm0, $0x4038;
	[tilespmem:$0x100] =	vst v63  }
0x13: {  	s29 =	sadd.s32 $0x10, s16;
	(ifvalue) =	ssetifvalue $0x7FFFFFFF  }
0x14: {  	[tilespmem:s29], [sflag:$0x1] =	stream.indirect_vreg.gather [hbm4b:s3+s10], $0x1, v0, vm0, $0x4038;
	[tilespmem:$0x100] =	vst v63  }
0x15: {  	_ =	swait.ge [sflag:s6], $0x40  }
0x16: {  	s30 =	sshrl.u32 s13, $0x3;
	[sflag:s6] =	ssyncset.done $0x0  }
0x17: {  	s31 =	sand.u32 $0x7, s13;
	s15 =	sadd.s32 s5, s30;
	[sflag:s6] =	ssyncadd.s32 $0xFFFFFFC0  }
0x18: {  	[hbm4b:s15+s31] =	stream.linear.scatter [tilespmem:s14], [sflag:$0x3], $0x40, $0x38;
	[tilespmem:$0x100] =	vst v63  }
.LBB2_5:
0x19: {  	s15 =	sadd.s32 $0x800, s11  }
0x1a: {  	p2 =	sgt.s32 s15, $0xFFF  }
0x1b: {  	s15 =	smov.u32 @p2 s2;
	p2 =	sne.s32 s12, s9  }
.Ltmp1:
0x1c: {  	p1 =	slt.u32 s12, $0x2;
	(pc) =	sbr.rel @!p2 .LBB2_6-.Ltmp1, $4  }
0x1d: {  	s14 =	simm.s32 @!p1 $0x3  }
0x1e: {  	s16 =	sadd.s32 $0x1, s12;
	_ =	swait.ge @!p1 [sflag:s14], $0x40  }
0x1f: {  	s13 =	smov.u32 s11;
	p0 =	por !p0, !p0;
	[sflag:s14] =	ssyncset.done @!p1 $0x0  }
0x20: {  	s12 =	smov.u32 s16;
	s11 =	smov.u32 s15;
	[sflag:s14] =	ssyncadd.s32 @!p1 $0xFFFFFFC0  }
.LBB2_1:
0x21: {  	p1 =	sge.u32 s12, s8  }
0x22: {  	s14 =	sxor.u32 @!p1 $0xFFFFFFFF, s12  }
0x23: {  	s31 =	sadd.s32 $0xFFFFFFFF, s12;
	s15 =	sshrl.u32 @!p1 s11, $0x3;
	s14 =	sshll.u32 @!p1 s14, $0x6  }
0x24: {  	s16 =	sand.u32 @!p1 $0x7, s11;
	s15 =	sadd.s32 @!p1 s4, s15;
	s14 =	sand.u32 @!p1 $0x40, s14  }
0x25: {  	[tilespmem:s14], [sflag:$0x2] =	stream.linear.gather @!p1 [hbm4b:s15+s16], $0x40, $0x38;
	[tilespmem:$0x100] =	vst v63  }
0x26: {  	p1 =	sge.u32 s31, s8  }
.Ltmp2:
0x27: {  	_ = 	snop;
	(pc) =	sbr.rel @p1 .LBB2_5-.Ltmp2, $1  }
0x28: {  	_ =	sdelay $0x3  }
0x29: {  	s14 =	simm.s32 $0x1  }
0x2a: {  	_ =	swait.ge [sflag:s7], $0x40;
	s14 =	simm.s32 @!p0 $0x0  }
0x2b: {  	[sflag:s7] =	ssyncset.done $0x0;
	s14 =	sshll.u32 s14, $0x6  }
0x2c: {  	[sflag:s7] =	ssyncadd.s32 $0xFFFFFFC0;
	(ifvalue) =	ssetifvalue $0x7FFFFFFF;
	v0 =	vld.msk [tilespmem:s14+$0x0 ss:$0x1], $0xffff;
	_ =	sdelay $0x4  }
0x2d: {  	s15 =	sadd.s32 $0x10, s14;
	vm1 =	vgt.s32 v0, $0x0  }
0x2e: {  	v2 =	vld.msk [tilespmem:s15+$0x0 ss:$0x1], $0xffff;
	v1 =	vnsel vm1, $0x0, v0  }
0x2f: {  	v1 =	vmin.u32 v1, $0xFFF;
	_ =	sdelay $0x1  }
0x30: {  	s16 =	sshll.u32 s12, $0x6;
	s18 =	simm.s32 $0x20  }
0x31: {  	s16 =	sand.u32 $0x40, s16;
	s17 =	sadd.s32 $0x10, s15;
	s15 =	sor.u32 $0x80, s14  }
0x32: {  	s14 =	sor.u32 $0x80, s16;
	s16 =	sadd.s32 $0x10, s15;
	v0 =	vld.msk [tilespmem:s17+$0x0 ss:$0x1], $0xffff;
	vm1 =	vgt.s32 v2, $0x0;
	(ifvalue) =	ssetifvalue $0x7FFFFFFF  }
.LBB2_3:
0x33: {  	[tilespmem:s15], [sflag:$0x1] =	stream.indirect_vreg.gather [hbm4b:s3+s10], $0x1, v1, vm0, $0x4038;
	[tilespmem:$0x100] =	vst v63  }
0x34: {  	s18 =	sadd.s32 $0x10, s18  }
0x35: {  	v2 =	vnsel vm1, $0x0, v2;
	p1 =	slt.u32 s18, $0x30  }
.Ltmp3:
0x36: {  	s15 =	smov.u32 s16;
	v1 =	vmin.u32 v2, $0xFFF;
	(pc) =	sbr.rel @p1 .LBB2_3-.Ltmp3, $3  }
0x37: {  	_ =	sdelay $0x1  }
0x38: {  	s17 =	sadd.s32 $0x10, s17  }
0x39: {  	vm1 =	vgt.s32 v0, $0x0;
	s16 =	sadd.s32 $0x10, s16;
	v2 =	vmov v0;
	(ifvalue) =	ssetifvalue $0x7FFFFFFF;
	v0 =	vld.msk [tilespmem:s17+$0x0 ss:$0x1], $0xffff  }
.Ltmp4:
0x3a: {  	_ = 	snop;
	(pc) =	sbr.rel .LBB2_4-.Ltmp4, $1  }
0x3b: {  	_ =	sdelay $0x3  }
.LBB2_6:
0x3c: {  	_ =	sfence.sel $0x180000  }
0x3d: {  	s2 =	simm.s32 $0x2;
	[bflag:$0x0] =	sbarrier.arrive $0xFFFF  }
0x3e: {  	s30 =	simm.s32 $0x3;
	[sflag:s2] =	ssyncpa.u1 $0x1  }
0x3f: {  	s31 =	simm.s32 $0x1;
	[sflag:s30] =	ssyncpa.u1 $0x1  }
0x40: {  	[sflag:s31] =	ssyncpa.u1 $0x1  }
0x41: {  	p0 =	sne.s32 s1, $0x0;
	_ =	strace $0x9000004A  }
0x42: {  	s0 =	sadd.s32 @!p0 $0x100000, s0;
	[bflag:$0x2] =	sbarrier.arrive $0xFFFF  }
0x43: {  	[sflag:s0] =	ssyncadd.tile.s32 @!p0 $0x1;
	_ =	shalt  }
.Lfunc_end2:
_tile_overlayer_lowered:
.L_overlay_start_2:
0x44: {  	(tag) =	ssettag $0x2  }
0x45: {  	s0 =	rddreg [dreg:$0x0];
	s2 =	stileid.u32  }
0x46: {  	s1 =	rddreg [dreg:$0x1];
	p0 =	sne.s32 s2, $0x0  }
0x47: {  	s3 =	rddreg [dreg:$0x2];
	[bflag:$0x3] =	sbarrier.arrive $0xFFFF;
	s2 =	simm.s32 @!p0 $0x1C01  }
0x48: {  	[timem:s3], [sflag:s2] =	dma.local @!p0 [hbm:s0], s1  }
0x49: {  	s0 =	simm.s32 @!p0 $0x1  }
0x4a: {  	_ =	swait.ge @!p0 [sflag:s0], s1  }
0x4b: {  	s1 =	ssub.s32 @!p0 $0x0, s1;
	[sflag:s0] =	ssyncset.done @!p0 $0x0  }
0x4c: {  	[sflag:s0] =	ssyncadd.s32 @!p0 s1  }
0x4d: {  	[bflag:$0x3] =	sbarrier.arrive $0xFFFF  }
0x4e: {  	_ =	shalt  }

// kernel: scatter_offload_async_start
scs
__scs_entry_jumppad:
0x0: {  	(pc) =	sbr.rel $0x88, $3  }
0x1: {  	(tag) =	ssettag $0x0;
	lr =	simm.s32 $0x1  }
0x2: {  	[smem:$0x3F93] =	sst lr;
	_ =	strace $0xD0000000  }
0x3: {  	_ = 	snop  }
0x4: {  	_ = 	snop  }
0x5: {  	_ = 	snop  }
0x6: {  	_ = 	snop  }
0x7: {  	_ = 	snop  }
__scs_overlays_trampoline_lowered:
0x8: {  	[smem:$0x3FA2] =	sst s0  }
0x9: {  	[smem:$0x3FA3] =	sst s1  }
0xa: {  	[smem:$0x3FA4] =	sst s2  }
0xb: {  	[smem:$0x3FA5] =	sst s3  }
0xc: {  	[smem:$0x3FA6] =	sst s4  }
0xd: {  	[smem:$0x3FA7] =	sst s5  }
0xe: {  	[smem:$0x3FA8] =	sst s6  }
0xf: {  	[smem:$0x3FA9] =	sst s7  }
0x10: {  	[smem:$0x3FAA] =	sst s8  }
0x11: {  	[smem:$0x3FAB] =	sst s9;
	s0 =	simm.s32 @!p0 $0x0  }
0x12: {  	s1 =	sld [smem:$0x3F91];
	s0 =	simm.s32 @p0 $0x1  }
0x13: {  	[smem:$0x3FAC] =	sst s0;
	s0 =	simm.s32 @!p1 $0x0  }
0x14: {  	s2 =	sld [smem:$0x3F90];
	s0 =	simm.s32 @p1 $0x1  }
0x15: {  	[smem:$0x3FAD] =	sst s0;
	s0 =	simm.s32 @!p2 $0x0  }
0x16: {  	s3 =	sld [smem:$0x3FDB];
	s0 =	simm.s32 @p2 $0x1  }
0x17: {  	s4 =	simm.s32 $0x1BF5;
	[smem:$0x3FAF] =	sst s0  }
0x18: {  	s0 =	sld [smem:$0x3F92];
	_ =	swait.ge [sflag:s4], $0x0  }
0x19: {  	s7 =	sld [smem:$0x3F93]  }
0x1a: {  	s8 =	sadd.s32 $0xFFFFE003, lr  }
0x1b: {  	s9 =	sadd.s32 $0xFFFFFEF7, lr;
	s5 =	simm.s32 $0xFFFFFFFF;
	p2 =	slt.u32 s8, $0xFFFFF086  }
0x1c: {  	p1 =	slt.u32 s9, $0xF7A;
	s5 =	simm.s32 @!p2 $0x0  }
0x1d: {  	s5 =	simm.s32 @p1 $0x1;
	p0 =	seq.s32 s7, s2  }
0x1e: {  	s7 =	smul.u32 @!p0 $0xF7A, s2;
	p2 =	seq.s32 @!p0 s5, $0x0  }
0x1f: {  	s9 =	smul.u32 $0xF7A, s1;
	s8 =	simm.s32 @!p0 $0x1BF5;
	p2 =	por !p2, p0  }
0x20: {  	[sflag:s8] =	ssyncset.s32 @!p0 $0xFFFFF086;
	s6 =	sadd.s32 @!p0 s3, s7;
	s7 =	simm.s32 @!p0 $0x108  }
0x21: {  	s3 =	sadd.s32 s3, s9;
	s6 =	sadd.s32 @!p0 $0x88, s6;
	s7 =	simm.s32 @p2 $0x1082  }
0x22: {  	[simem:s7], [sflag:s8] =	dma.local @!p0 [hbm:s6], $0xF7A  }
0x23: {  	s9 =	sor.u32 $0xD0000000, s2;
	s6 =	simm.s32 $0x108;
	_ =	swait.ge @!p0 [sflag:s8], $0x0  }
0x24: {  	s3 =	sadd.s32 $0x88, s3;
	s6 =	simm.s32 @!p1 $0x1082;
	[sflag:s4] =	ssyncset.s32 $0xFFFFF086  }
0x25: {  	[simem:s6], [sflag:s4] =	dma.local [hbm:s3], $0xF7A  }
0x26: {  	[smem:$0x3F93] =	sst s1;
	(tag) =	ssettag s2;
	_ =	strace s9  }
0x27: {  	s1 =	sld [smem:$0x3FA3]  }
0x28: {  	s2 =	sld [smem:$0x3FA4]  }
0x29: {  	s4 =	sld [smem:$0x3FA6]  }
0x2a: {  	p0 =	seq.s32 s5, $0x0;
	s5 =	sld [smem:$0x3FA7]  }
0x2b: {  	s6 =	sld [smem:$0x3FA8]  }
0x2c: {  	s7 =	sld [smem:$0x3FA9]  }
0x2d: {  	s3 =	simm.s32 $0x108;
	s8 =	sld [smem:$0x3FAA]  }
0x2e: {  	s3 =	simm.s32 @!p0 $0x1082;
	s9 =	sld [smem:$0x3FAB]  }
0x2f: {  	lr =	sadd.s32 s0, s3;
	s0 =	sld [smem:$0x3FA2]  }
0x30: {  	s3 =	sld [smem:$0x3FA5]  }
0x31: {  	[smem:$0x3FAE] =	sst s10  }
0x32: {  	s10 =	sld [smem:$0x3FAC];
	_ =	sdelay $0x3  }
0x33: {  	p0 =	seq.s32 s10, $0x1;
	s10 =	sld [smem:$0x3FAE];
	_ =	sdelay $0x3  }
0x34: {  	[smem:$0x3FAE] =	sst s10  }
0x35: {  	s10 =	sld [smem:$0x3FAD];
	_ =	sdelay $0x3  }
0x36: {  	p1 =	seq.s32 s10, $0x1;
	s10 =	sld [smem:$0x3FAE];
	_ =	sdelay $0x3  }
0x37: {  	[smem:$0x3FAE] =	sst s10  }
0x38: {  	s10 =	sld [smem:$0x3FAF]  }
0x39: {  	_ = 	snop;
	(pc) =	sbr.ind lr, $3  }
0x3a: {  	_ = 	snop  }
0x3b: {  	_ = 	snop  }
0x3c: {  	p2 =	seq.s32 s10, $0x1;
	s10 =	sld [smem:$0x3FAE]  }
0x3d: {  	_ =	shalt  }
0x3e: {  	_ =	shalt  }
0x3f: {  	_ =	shalt  }
0x40: {  	_ =	shalt  }
0x41: {  	_ =	shalt  }
0x42: {  	_ =	shalt  }
0x43: {  	_ =	shalt  }
0x44: {  	_ =	shalt  }
0x45: {  	_ =	shalt  }
0x46: {  	_ =	shalt  }
0x47: {  	_ =	shalt  }
0x48: {  	_ =	shalt  }
0x49: {  	_ =	shalt  }
0x4a: {  	_ =	shalt  }
0x4b: {  	_ =	shalt  }
0x4c: {  	_ =	shalt  }
0x4d: {  	_ =	shalt  }
0x4e: {  	_ =	shalt  }
0x4f: {  	_ =	shalt  }
0x50: {  	_ =	shalt  }
0x51: {  	_ =	shalt  }
0x52: {  	_ =	shalt  }
0x53: {  	_ =	shalt  }
0x54: {  	_ =	shalt  }
0x55: {  	_ =	shalt  }
0x56: {  	_ =	shalt  }
0x57: {  	_ =	shalt  }
0x58: {  	_ =	shalt  }
0x59: {  	_ =	shalt  }
0x5a: {  	_ =	shalt  }
0x5b: {  	_ =	shalt  }
0x5c: {  	_ =	shalt  }
0x5d: {  	_ =	shalt  }
0x5e: {  	_ =	shalt  }
0x5f: {  	_ =	shalt  }
0x60: {  	_ =	shalt  }
0x61: {  	_ =	shalt  }
0x62: {  	_ =	shalt  }
0x63: {  	_ =	shalt  }
0x64: {  	_ =	shalt  }
0x65: {  	_ =	shalt  }
0x66: {  	_ =	shalt  }
0x67: {  	_ =	shalt  }
0x68: {  	_ =	shalt  }
0x69: {  	_ =	shalt  }
0x6a: {  	_ =	shalt  }
0x6b: {  	_ =	shalt  }
0x6c: {  	_ =	shalt  }
0x6d: {  	_ =	shalt  }
0x6e: {  	_ =	shalt  }
0x6f: {  	_ =	shalt  }
0x70: {  	_ =	shalt  }
0x71: {  	_ =	shalt  }
0x72: {  	_ =	shalt  }
0x73: {  	_ =	shalt  }
0x74: {  	_ =	shalt  }
0x75: {  	_ =	shalt  }
0x76: {  	_ =	shalt  }
0x77: {  	_ =	shalt  }
0x78: {  	_ =	shalt  }
0x79: {  	_ =	shalt  }
0x7a: {  	_ =	shalt  }
0x7b: {  	_ =	shalt  }
0x7c: {  	_ =	shalt  }
0x7d: {  	_ =	shalt  }
0x7e: {  	_ =	shalt  }
0x7f: {  	_ =	shalt  }
0x80: {  	_ =	shalt  }
0x81: {  	_ =	shalt  }
0x82: {  	_ =	shalt  }
0x83: {  	_ =	shalt  }
0x84: {  	_ =	shalt  }
0x85: {  	_ =	shalt  }
0x86: {  	_ =	shalt  }
0x87: {  	_ =	shalt  }
.Lfunc_end0:
.L_simem_size_0:
called_computation_lowered:
.L_overlay_start_0:
0x88: {  	s0 =	sld [smem:$0x3FD9]  }
0x89: {  	s1 =	sld [smem:$0x3FFE];
	_ =	sdelay $0x3  }
0x8a: {  	s0 =	sadd.s32 s1, s0  }
0x8b: {  	[smem:$0x3FBA] =	sst s0  }
0x8c: {  	_ = 	snop  }
0x8d: {  	(tm) =	ssettm $0x1  }
0x8e: {  	s15 =	sld [smem:$0x3FFB];
	_ =	sdelay $0x3  }
0x8f: {  	_ =	strace s15  }
0x90: {  	s0 =	sld [smem:$0x3FFC];
	_ =	sdelay $0x3  }
0x91: {  	_ =	strace s0  }
0x92: {  	s0 =	sld [smem:$0x3FFD];
	_ =	sdelay $0x3  }
0x93: {  	_ =	strace s0  }
0x94: {  	_ =	strace $0x8FFFFFFF  }
0x95: {  	s16 =	sld [smem:$0x3FDB];
	_ =	sdelay $0x1  }
0x96: {  	s17 =	simm.s32 $_scs_section_size  }
0x97: {  	s2 =	simm.s32 $_size__tile_overlayer_lowered;
	s3 =	simm.s32 $_tile_overlayer_lowered  }
0x98: {  	s20 =	simm.s32 $0x1BFF;
	s19 =	sshll.u32 s3, $0x1;
	s0 =	sadd.s32 s17, s16  }
0x99: {  	s4 =	simm.s32 $0x0;
	s18 =	sshll.u32 s2, $0x1;
	s2 =	sadd.s32 s19, s0  }
0x9a: {  	[timem:s4], [sflag:s20] =	dma.local [hbm:s2], s18  }
0x9b: {  	_ =	swait.ge [sflag:s20], s18  }
0x9c: {  	s1 =	ssub.s32 $0x0, s18;
	[sflag:s20] =	ssyncset.done $0x0  }
0x9d: {  	[sflag:s20] =	ssyncadd.s32 s1;
	_ =	sdelay $0x1  }
0x9e: {  	s21 =	simm.s32 $0x1B8B  }
0x9f: {  	_ =	swait.ge [sflag:s21], $0x1  }
0xa0: {  	[sflag:s21] =	ssyncset.done $0x0  }
0xa1: {  	s23 =	simm.s32 $0x1B8E;
	s22 =	sld [smem:$0x3FFE];
	[sflag:s21] =	ssyncadd.s32 $0xFFFFFFFF  }
0xa2: {  	s24 =	simm.s32 $execute0_lowered;
	[smem:$0x3FD2] =	sst s23  }
0xa3: {  	s2 =	sshll.u32 s24, $0x1;
	_ =	strace $0x80000046;
	[dreg:$0x1] =	wrdreg $0xFFFFFFFF  }
0xa4: {  	s25 =	simm.s32 $_size_execute0_lowered;
	s0 =	sadd.s32 s0, s2;
	[dreg:$0x0] =	wrdreg $0x0  }
0xa5: {  	s2 =	sshll.u32 s25, $0x1;
	[dreg:$0x2] =	wrdreg s0  }
0xa6: {  	[dreg:$0x3] =	wrdreg s2  }
0xa7: {  	[dreg:$0x4] =	wrdreg $0xC0  }
0xa8: {  	_ =	task [dreg:s4], $0x5FFFF  }
0xa9: {  	[dreg:$0x1] =	wrdreg $0xFFFFFFFF  }
0xaa: {  	[dreg:$0x0] =	wrdreg $0x60  }
0xab: {  	[dreg:$0x2] =	wrdreg s22  }
0xac: {  	[dreg:$0x3] =	wrdreg $0x9  }
0xad: {  	_ =	task.clear_ibuf [dreg:s4], $0x4FFFF;
	_ =	strace $0x90000046  }
0xae: {  	s26 =	simm.s32 $0x9;
	_ =	strace $0x80000048  }
0xaf: {  	_ =	swait.ge [sflag:s26], $0x1  }
0xb0: {  	[sflag:s26] =	ssyncadd.s32 $0xFFFFFFFF  }
0xb1: {  	_ =	strace $0x90000048  }
0xb2: {  	_ =	sfence  }
0xb3: {  	s28 =	sld [smem:$0x0];
	_ =	sdelay $0x1  }
0xb4: {  	s29 =	srdreg.scid  }
0xb5: {  	s30 =	sshll.u32 s29, $0xD;
	s31 =	sshrl.u32 s29, $0x2  }
0xb6: {  	s1 =	sand.u32 $0x1, s29;
	s2 =	sand.u32 $0x4000, s30;
	s0 =	sadd.s32 s31, s28  }
0xb7: {  	s1 =	sor.u32 s2, s1;
	s0 =	sshll.u32 s0, $0x11  }
0xb8: {  	s0 =	sor.u32 s0, s1  }
0xb9: {  	s0 =	sadd.s32 $0x8F2B, s0  }
0xba: {  	[sflag:s0] =	ssyncadd.remote.s32 $0x1  }
0xbb: {  	_ =	sfence.sel $0xFFFF  }
0xbc: {  	[dreg:$0x0] =	wrdreg $0xFFFFFFFF;
	(pc) =	sbr.abs _section_cstart, $3  }
0xbd: {  	[dreg:$0x1] =	wrdreg $0xFFFFFFFF  }
0xbe: {  	_ =	task.clear_ibuf [dreg:s4], $0x2FFFF;
	_ =	strace $0x9FFFFFFF  }
0xbf: {  	(tm) =	ssettm $0x7FFFFFFF  }
tec
execute0_lowered:
.L_overlay_start_1:
0x0: {  	(tag) =	ssettag $0x1  }
0x1: {  	s5 =	rddreg [dreg:$0x0]  }
0x2: {  	s0 =	rddreg [dreg:$0x1];
	_ =	strace $0x80000047;
	s6 =	stileid.u32  }
0x3: {  	s3 =	simm.s32 $0x3E;
	s1 =	sadd.s32 $0x41400, s5;
	p0 =	sne.s32 s6, $0x0  }
0x4: {  	[sflag:s3] =	ssyncpa.u1 $0x0;
	s4 =	simm.s32 @!p0 $0x1C3E;
	s2 =	simm.s32 @!p0 $0x0  }
0x5: {  	[spmem:s2], [sflag:s4] =	dma.local @!p0 [hbm:s1], $0x10  }
0x6: {  	s4 =	simm.s32 @!p0 $0x3E  }
0x7: {  	_ =	swait.ge @!p0 [sflag:s4], $0x10  }
0x8: {  	[sflag:s4] =	ssyncset.done @!p0 $0x0  }
0x9: {  	s9 =	simm.s32 $0x108;
	[sflag:s4] =	ssyncadd.s32 @!p0 $0xFFFFFFF0  }
0xa: {  	s7 =	sadd.s32 $0x40C00, s5;
	s8 =	sadd.s32 $0x41600, s5;
	[bflag:$0x0] =	sbarrier.arrive $0xFFFF  }
0xb: {  	s6 =	sshll.u32 s6, $0x5;
	[sflag:s3] =	ssyncpa.u1 $0x1;
	s3 =	simm.s32 $0x1  }
0xc: {  	s5 =	simm.s32 $0x0;
	s4 =	simm.s32 $0x2;
	[sflag:s3] =	ssyncpa.u1 $0x0  }
0xd: {  	s7 =	sadd.s32 s7, s6;
	(ifvalue) =	ssetifvalue $0x80;
	[sflag:s4] =	ssyncpa.u1 $0x0  }
0xe: {  	[tilespmem:s9], [sflag:$0x2] =	stream.linear.gather [hbm4b:s7+s5], $0x100, $0x38;
	[tilespmem:$0x408] =	vst v63  }
0xf: {  	s23 =	simm.s32 $0x308;
	s6 =	sadd.s32 s8, s6  }
0x10: {  	[tilespmem:s23], [sflag:$0x2] =	stream.linear.gather [hbm4b:s6+s5], $0x100, $0x38;
	[tilespmem:$0x408] =	vst v63  }
0x11: {  	_ =	swait.ge [sflag:s4], $0x200  }
0x12: {  	[sflag:s4] =	ssyncset.done $0x0  }
0x13: {  	[sflag:s4] =	ssyncadd.s32 $0xFFFFFE00  }
0x14: {  	v0 =	vld.msk [tilespmem:s9+$0x0 ss:$0x1], $0xffff;
	_ =	sdelay $0x4  }
0x15: {  	v0 =	vmin.u32 v0, $0x80;
	_ =	sdelay $0x3  }
0x16: {  	vm0 =	vmmov $0xffff;
	s24 =	simm.s32 $0x118  }
0x17: {  	[spmem:s5] =	stream.indirect_vreg.scatter.add.s32 [tilespmem:s23], [sflag:$0x1], $0x1, v0, vm0, $0x4038;
	[tilespmem:$0x408] =	vst v63  }
0x18: {  	v0 =	vld.msk [tilespmem:s24+$0x0 ss:$0x1], $0xffff;
	_ =	sdelay $0x4  }
0x19: {  	v0 =	vmin.u32 v0, $0x80;
	_ =	sdelay $0x3  }
0x1a: {  	s25 =	simm.s32 $0x318;
	s26 =	simm.s32 $0x128  }
0x1b: {  	[spmem:s5] =	stream.indirect_vreg.scatter.add.s32 [tilespmem:s25], [sflag:$0x1], $0x1, v0, vm0, $0x4038;
	[tilespmem:$0x408] =	vst v63  }
0x1c: {  	v0 =	vld.msk [tilespmem:s26+$0x0 ss:$0x1], $0xffff;
	_ =	sdelay $0x4  }
0x1d: {  	v0 =	vmin.u32 v0, $0x80;
	_ =	sdelay $0x3  }
0x1e: {  	s28 =	simm.s32 $0x328;
	s29 =	simm.s32 $0x138  }
0x1f: {  	[spmem:s5] =	stream.indirect_vreg.scatter.add.s32 [tilespmem:s28], [sflag:$0x1], $0x1, v0, vm0, $0x4038;
	[tilespmem:$0x408] =	vst v63  }
0x20: {  	v0 =	vld.msk [tilespmem:s29+$0x0 ss:$0x1], $0xffff;
	_ =	sdelay $0x4  }
0x21: {  	v0 =	vmin.u32 v0, $0x80;
	_ =	sdelay $0x3  }
0x22: {  	s30 =	simm.s32 $0x338;
	s31 =	simm.s32 $0x148  }
0x23: {  	[spmem:s5] =	stream.indirect_vreg.scatter.add.s32 [tilespmem:s30], [sflag:$0x1], $0x1, v0, vm0, $0x4038;
	[tilespmem:$0x408] =	vst v63  }
0x24: {  	v0 =	vld.msk [tilespmem:s31+$0x0 ss:$0x1], $0xffff;
	_ =	sdelay $0x4  }
0x25: {  	v0 =	vmin.u32 v0, $0x80;
	_ =	sdelay $0x3  }
0x26: {  	s8 =	simm.s32 $0x158;
	s7 =	simm.s32 $0x348  }
0x27: {  	[spmem:s5] =	stream.indirect_vreg.scatter.add.s32 [tilespmem:s7], [sflag:$0x1], $0x1, v0, vm0, $0x4038;
	[tilespmem:$0x408] =	vst v63  }
0x28: {  	v0 =	vld.msk [tilespmem:s8+$0x0 ss:$0x1], $0xffff;
	_ =	sdelay $0x4  }
0x29: {  	v0 =	vmin.u32 v0, $0x80;
	_ =	sdelay $0x3  }
0x2a: {  	s10 =	simm.s32 $0x168;
	s9 =	simm.s32 $0x358  }
0x2b: {  	[spmem:s5] =	stream.indirect_vreg.scatter.add.s32 [tilespmem:s9], [sflag:$0x1], $0x1, v0, vm0, $0x4038;
	[tilespmem:$0x408] =	vst v63  }
0x2c: {  	v0 =	vld.msk [tilespmem:s10+$0x0 ss:$0x1], $0xffff;
	_ =	sdelay $0x4  }
0x2d: {  	v0 =	vmin.u32 v0, $0x80;
	_ =	sdelay $0x3  }
0x2e: {  	s11 =	simm.s32 $0x368;
	s12 =	simm.s32 $0x178  }
0x2f: {  	[spmem:s5] =	stream.indirect_vreg.scatter.add.s32 [tilespmem:s11], [sflag:$0x1], $0x1, v0, vm0, $0x4038;
	[tilespmem:$0x408] =	vst v63  }
0x30: {  	v0 =	vld.msk [tilespmem:s12+$0x0 ss:$0x1], $0xffff;
	_ =	sdelay $0x4  }
0x31: {  	v0 =	vmin.u32 v0, $0x80;
	_ =	sdelay $0x3  }
0x32: {  	s13 =	simm.s32 $0x378;
	s14 =	simm.s32 $0x188  }
0x33: {  	[spmem:s5] =	stream.indirect_vreg.scatter.add.s32 [tilespmem:s13], [sflag:$0x1], $0x1, v0, vm0, $0x4038;
	[tilespmem:$0x408] =	vst v63  }
0x34: {  	v0 =	vld.msk [tilespmem:s14+$0x0 ss:$0x1], $0xffff;
	_ =	sdelay $0x4  }
0x35: {  	v0 =	vmin.u32 v0, $0x80;
	_ =	sdelay $0x3  }
0x36: {  	s15 =	simm.s32 $0x388;
	s16 =	simm.s32 $0x198  }
0x37: {  	[spmem:s5] =	stream.indirect_vreg.scatter.add.s32 [tilespmem:s15], [sflag:$0x1], $0x1, v0, vm0, $0x4038;
	[tilespmem:$0x408] =	vst v63  }
0x38: {  	v0 =	vld.msk [tilespmem:s16+$0x0 ss:$0x1], $0xffff;
	_ =	sdelay $0x4  }
0x39: {  	v0 =	vmin.u32 v0, $0x80;
	_ =	sdelay $0x3  }
0x3a: {  	s17 =	simm.s32 $0x398;
	s18 =	simm.s32 $0x1A8  }
0x3b: {  	[spmem:s5] =	stream.indirect_vreg.scatter.add.s32 [tilespmem:s17], [sflag:$0x1], $0x1, v0, vm0, $0x4038;
	[tilespmem:$0x408] =	vst v63  }
0x3c: {  	v0 =	vld.msk [tilespmem:s18+$0x0 ss:$0x1], $0xffff;
	_ =	sdelay $0x4  }
0x3d: {  	v0 =	vmin.u32 v0, $0x80;
	_ =	sdelay $0x3  }
0x3e: {  	s19 =	simm.s32 $0x3A8;
	s20 =	simm.s32 $0x1B8  }
0x3f: {  	[spmem:s5] =	stream.indirect_vreg.scatter.add.s32 [tilespmem:s19], [sflag:$0x1], $0x1, v0, vm0, $0x4038;
	[tilespmem:$0x408] =	vst v63  }
0x40: {  	v0 =	vld.msk [tilespmem:s20+$0x0 ss:$0x1], $0xffff;
	_ =	sdelay $0x4  }
0x41: {  	v0 =	vmin.u32 v0, $0x80;
	_ =	sdelay $0x3  }
0x42: {  	s21 =	simm.s32 $0x3B8;
	s22 =	simm.s32 $0x1C8  }
0x43: {  	[spmem:s5] =	stream.indirect_vreg.scatter.add.s32 [tilespmem:s21], [sflag:$0x1], $0x1, v0, vm0, $0x4038;
	[tilespmem:$0x408] =	vst v63  }
0x44: {  	v0 =	vld.msk [tilespmem:s22+$0x0 ss:$0x1], $0xffff;
	_ =	sdelay $0x4  }
0x45: {  	v0 =	vmin.u32 v0, $0x80;
	_ =	sdelay $0x3  }
0x46: {  	s23 =	simm.s32 $0x3C8;
	s24 =	simm.s32 $0x1D8  }
0x47: {  	[spmem:s5] =	stream.indirect_vreg.scatter.add.s32 [tilespmem:s23], [sflag:$0x1], $0x1, v0, vm0, $0x4038;
	[tilespmem:$0x408] =	vst v63  }
0x48: {  	v0 =	vld.msk [tilespmem:s24+$0x0 ss:$0x1], $0xffff;
	_ =	sdelay $0x4  }
0x49: {  	v0 =	vmin.u32 v0, $0x80;
	_ =	sdelay $0x3  }
0x4a: {  	s25 =	simm.s32 $0x3D8;
	s26 =	simm.s32 $0x1E8  }
0x4b: {  	[spmem:s5] =	stream.indirect_vreg.scatter.add.s32 [tilespmem:s25], [sflag:$0x1], $0x1, v0, vm0, $0x4038;
	[tilespmem:$0x408] =	vst v63  }
0x4c: {  	v0 =	vld.msk [tilespmem:s26+$0x0 ss:$0x1], $0xffff;
	_ =	sdelay $0x4  }
0x4d: {  	v0 =	vmin.u32 v0, $0x80;
	_ =	sdelay $0x3  }
0x4e: {  	s28 =	simm.s32 $0x3E8;
	s29 =	simm.s32 $0x1F8  }
0x4f: {  	[spmem:s5] =	stream.indirect_vreg.scatter.add.s32 [tilespmem:s28], [sflag:$0x1], $0x1, v0, vm0, $0x4038;
	[tilespmem:$0x408] =	vst v63  }
0x50: {  	v0 =	vld.msk [tilespmem:s29+$0x0 ss:$0x1], $0xffff;
	_ =	sdelay $0x4  }
0x51: {  	v0 =	vmin.u32 v0, $0x80;
	_ =	sdelay $0x3  }
0x52: {  	s30 =	simm.s32 $0x3F8  }
0x53: {  	[spmem:s5] =	stream.indirect_vreg.scatter.add.s32 [tilespmem:s30], [sflag:$0x1], $0x1, v0, vm0, $0x4038;
	[tilespmem:$0x408] =	vst v63  }
0x54: {  	_ =	swait.ge [sflag:s3], $0x100  }
0x55: {  	[sflag:s3] =	ssyncset.done $0x0  }
0x56: {  	[sflag:s3] =	ssyncadd.s32 $0xFFFFFF00  }
0x57: {  	_ =	sfence.sel $0x180000  }
0x58: {  	[bflag:$0x0] =	sbarrier.arrive $0xFFFF  }
0x59: {  	[sflag:s4] =	ssyncpa.u1 $0x1  }
0x5a: {  	[sflag:s3] =	ssyncpa.u1 $0x1  }
0x5b: {  	_ =	sfence.stream.spmem  }
0x5c: {  	s31 =	simm.s32 $0x3D;
	[bflag:$0x0] =	sbarrier.arrive $0xFFFF  }
0x5d: {  	s3 =	simm.s32 @p0 $0x3D;
	[sflag:s31] =	ssyncpa.u1 $0x0  }
0x5e: {  	[sflag:s3] =	ssyncpa.u1 @p0 $0x1  }
0x5f: {  	[bflag:$0x0] =	sbarrier.arrive @p0 $0xFFFF  }
0x60: {  	_ =	strace @p0 $0x90000047  }
0x61: {  	s3 =	simm.s32 @!p0 $0x1C3D;
	[bflag:$0x2] =	sbarrier.arrive @p0 $0xFFFF  }
0x62: {  	[hbm:s1], [sflag:s3] =	dma.local @!p0 [spmem:s2], $0x10  }
0x63: {  	s1 =	simm.s32 @!p0 $0x3D  }
0x64: {  	_ =	swait.ge @!p0 [sflag:s1], $0x10  }
0x65: {  	[sflag:s1] =	ssyncset.done @!p0 $0x0  }
0x66: {  	[sflag:s1] =	ssyncadd.s32 @!p0 $0xFFFFFFF0  }
0x67: {  	[sflag:s1] =	ssyncpa.u1 @!p0 $0x1  }
0x68: {  	[bflag:$0x0] =	sbarrier.arrive @!p0 $0xFFFF  }
0x69: {  	_ =	strace @!p0 $0x90000047  }
0x6a: {  	s0 =	sadd.s32 @!p0 $0x100000, s0;
	[bflag:$0x2] =	sbarrier.arrive @!p0 $0xFFFF  }
0x6b: {  	[sflag:s0] =	ssyncadd.tile.s32 @!p0 $0x1;
	_ =	shalt  }
.Lfunc_end2:
_tile_overlayer_lowered:
.L_overlay_start_2:
0x6c: {  	(tag) =	ssettag $0x2  }
0x6d: {  	s0 =	rddreg [dreg:$0x0];
	s2 =	stileid.u32  }
0x6e: {  	s1 =	rddreg [dreg:$0x1];
	p0 =	sne.s32 s2, $0x0  }
0x6f: {  	s3 =	rddreg [dreg:$0x2];
	[bflag:$0x3] =	sbarrier.arrive $0xFFFF;
	s2 =	simm.s32 @!p0 $0x1C01  }
0x70: {  	[timem:s3], [sflag:s2] =	dma.local @!p0 [hbm:s0], s1  }
0x71: {  	s0 =	simm.s32 @!p0 $0x1  }
0x72: {  	_ =	swait.ge @!p0 [sflag:s0], s1  }
0x73: {  	s1 =	ssub.s32 @!p0 $0x0, s1;
	[sflag:s0] =	ssyncset.done @!p0 $0x0  }
0x74: {  	[sflag:s0] =	ssyncadd.s32 @!p0 s1  }
0x75: {  	[bflag:$0x3] =	sbarrier.arrive $0xFFFF  }
0x76: {  	_ =	shalt  }

</sc_bundles>
